<compile_context>
chip_gen: v7x
topology: tpu7x:2x2x1
jax: 0.10.2.dev20260603
libtpu: 0.0.44.dev20260713+nightly
codegen_flags: <defaults>
</compile_context>

<pallas_src>
import dataclasses
import functools

import jax
import jax.numpy as jnp
from jax import lax
from jax.experimental import pallas as pl
from jax.experimental.pallas import tpu as pltpu
from jax.experimental.pallas import tpu_sc as plsc

_D = 32
_V = 1000000
_FIRE = 8


def _sc_gather_native(t3, idx):
    B = idx.shape[0]
    info = plsc.get_sparse_core_info()
    nw = info.num_cores * info.num_subcores
    b_per_w = B // nw
    mesh = plsc.VectorSubcoreMesh(core_axis_name="c", subcore_axis_name="s")
    cp = pltpu.CompilerParams()
    if "needs_layout_passes" in pltpu.CompilerParams.__dataclass_fields__:
        cp = dataclasses.replace(cp, needs_layout_passes=False)

    @functools.partial(
        pl.kernel,
        mesh=mesh,
        compiler_params=cp,
        out_type=jax.ShapeDtypeStruct((B, _D), jnp.float32),
        scratch_types=[
            pltpu.VMEM((b_per_w + 16,), jnp.int32),
            pltpu.VMEM((_FIRE, _D // 8, 8, 128), jnp.float32),
            pltpu.VMEM((b_per_w, _D), jnp.float32),
            pltpu.SemaphoreType.DMA,
        ],
    )
    def k(t_hbm, g_hbm, o_hbm, idx_v, tiles_v, rows_v, sem):
        wid = lax.axis_index("s") * info.num_cores + lax.axis_index("c")
        base = wid * b_per_w
        pltpu.sync_copy(g_hbm.at[pl.ds(base, b_per_w)], idx_v.at[pl.ds(0, b_per_w)])
        sub16 = jax.lax.iota(jnp.int32, 16)
        dt0 = sub16 // 8
        s16 = sub16 % 8

        @pl.loop(0, b_per_w, step=_FIRE)
        def _(i):
            ivec = idx_v[pl.ds(i, 16)]
            copies = []
            for j in range(_FIRE):
                c = ivec[j]
                col0 = (c >> 7) * 128
                copies.append(pltpu.async_copy(
                    t_hbm.at[:, :, pl.ds(col0, 128)], tiles_v.at[j], sem))
            for j, copy in enumerate(copies):
                copy.wait()
                c = ivec[j]
                lane = jnp.full((16,), c & 127, jnp.int32)
                lo = plsc.load_gather(tiles_v.at[j], [dt0, s16, lane])
                hi = plsc.load_gather(tiles_v.at[j], [dt0 + 2, s16, lane])
                rows_v.at[i + j, pl.ds(0, 16)][...] = lo
                rows_v.at[i + j, pl.ds(16, 16)][...] = hi
        pltpu.sync_copy(rows_v, o_hbm.at[pl.ds(base, b_per_w)])

    return k(t3, idx)


def _mlp_body(u_ref, i_ref, w1_ref, b1_ref, w2_ref, b2_ref, w3_ref, b3_ref,
              o_ref):
    h1 = jnp.dot(u_ref[...], w1_ref[0:_D, :], preferred_element_type=jnp.float32)
    h1 = h1 + jnp.dot(i_ref[...], w1_ref[_D:2 * _D, :],
                      preferred_element_type=jnp.float32)
    h1 = jnp.maximum(h1 + b1_ref[...], 0.0)
    h2 = jnp.dot(h1, w2_ref[...], preferred_element_type=jnp.float32)
    h2 = jnp.maximum(h2 + b2_ref[...], 0.0)
    o_ref[...] = (jnp.dot(h2, w3_ref[...], preferred_element_type=jnp.float32)
                  + b3_ref[...])[:, 0]


def _tc_mlp_narrow(u_emb, i_emb, W1, b1, W2, b2, W3, b3, interpret=False):
    B = u_emb.shape[0]
    blk = 2048
    n1 = W1.shape[1]
    n2 = W2.shape[1]
    return pl.pallas_call(
        _mlp_body,
        grid=(B // blk,),
        in_specs=[
            pl.BlockSpec((blk, _D), lambda i: (i, 0)),
            pl.BlockSpec((blk, _D), lambda i: (i, 0)),
            pl.BlockSpec((2 * _D, n1), lambda i: (0, 0)),
            pl.BlockSpec((1, n1), lambda i: (0, 0)),
            pl.BlockSpec((n1, n2), lambda i: (0, 0)),
            pl.BlockSpec((1, n2), lambda i: (0, 0)),
            pl.BlockSpec((n2, 1), lambda i: (0, 0)),
            pl.BlockSpec((1, 1), lambda i: (0, 0)),
        ],
        out_specs=pl.BlockSpec((blk,), lambda i: (i,)),
        out_shape=jax.ShapeDtypeStruct((B,), jnp.float32),
        interpret=interpret,
    )(u_emb, i_emb, W1, b1.reshape(1, -1), W2, b2.reshape(1, -1), W3,
      b3.reshape(1, -1)).reshape(B, 1)


def kernel(user_input, item_input, user_table, item_table,
           W1, b1, W2, b2, W3, b3):
    cu = user_input.astype(jnp.int32)
    ci = item_input.astype(jnp.int32)
    tu3 = user_table.T.reshape(_D // 8, 8, _V)
    ti3 = item_table.T.reshape(_D // 8, 8, _V)
    u_emb = _sc_gather_native(tu3, cu)
    i_emb = _sc_gather_native(ti3, ci)
    return _tc_mlp_narrow(u_emb, i_emb, W1, b1, W2, b2, W3, b3)

# --- scband reference (transcript-rebuilt; emitter-appended) ---
"""Pipeline reference for scband-tensor-flow-recommender-9251359555906 (READ-ONLY COPY).

The authoritative reference and input builder live on the scoring server;
editing this copy changes nothing except your own understanding.
"""

import jax, jax.numpy as jnp
import numpy as np

NUM_USERS = 1000000
NUM_ITEMS = 1000000
EMBED_DIM = 32
BATCH = 16384

def setup_inputs(seed: int = 0) -> dict:
    key = jax.random.key(seed)
    k_u, k_i, k_ut, k_it, k_w1, k_w2, k_w3 = jax.random.split(key, 7)
    user_input = jax.random.randint(k_u, (BATCH,), 0, NUM_USERS, dtype=jnp.int64 if jax.config.jax_enable_x64 else jnp.int32)
    item_input = jax.random.randint(k_i, (BATCH,), 0, NUM_ITEMS, dtype=jnp.int64 if jax.config.jax_enable_x64 else jnp.int32)
    user_table = jax.random.normal(k_ut, (NUM_USERS, EMBED_DIM), dtype=jnp.float32) * 0.05
    item_table = jax.random.normal(k_it, (NUM_ITEMS, EMBED_DIM), dtype=jnp.float32) * 0.05
    W1 = jax.random.normal(k_w1, (2 * EMBED_DIM, 32), dtype=jnp.float32) * (1.0 / np.sqrt(2 * EMBED_DIM))
    b1 = jnp.zeros((32,), dtype=jnp.float32)
    W2 = jax.random.normal(k_w2, (32, 16), dtype=jnp.float32) * (1.0 / np.sqrt(32))
    b2 = jnp.zeros((16,), dtype=jnp.float32)
    W3 = jax.random.normal(k_w3, (16, 1), dtype=jnp.float32) * (1.0 / np.sqrt(16))
    b3 = jnp.zeros((1,), dtype=jnp.float32)
    return {
        "user_input": user_input,
        "item_input": item_input,
        "user_table": user_table,
        "item_table": item_table,
        "W1": W1, "b1": b1,
        "W2": W2, "b2": b2,
        "W3": W3, "b3": b3,
    }

def reference(user_input, item_input, user_table, item_table, W1, b1, W2, b2, W3, b3):
    # Embedding lookups (gather) -> SparseCore-friendly
    user_embedded = jnp.take(user_table, user_input, axis=0)  # [B, D]
    item_embedded = jnp.take(item_table, item_input, axis=0)  # [B, D]
    x = jnp.concatenate([user_embedded, item_embedded], axis=1)  # [B, 2D]
    x = jax.nn.relu(x @ W1 + b1)
    x = jax.nn.relu(x @ W2 + b2)
    x = x @ W3 + b3
    return x

if __name__ == "__main__":
    import jax
    _d = setup_inputs()
    print(jax.jit(kernel)(*tuple(_d.values())))

</pallas_src>

<mosaic_0001>
#map = affine_map<(d0, d1) -> (0, 0, 0)>
#map1 = affine_map<(d0, d1) -> (0)>
#map2 = affine_map<(d0, d1) -> (0, 0)>
module attributes {stable_mosaic.version = 14 : i64} {
  func.func @k(%arg0: i32, %arg1: i32, %arg2: memref<4x8x1000000xf32, #tpu.memory_space<hbm>>, %arg3: memref<16384xi32, #tpu.memory_space<hbm>>, %arg4: memref<16384x32xf32, #tpu.memory_space<hbm>>, %arg5: memref<528xi32, #tpu.memory_space<vmem>>, %arg6: memref<8x4x8x128xf32, #tpu.memory_space<vmem>>, %arg7: memref<512x32xf32, #tpu.memory_space<vmem>>, %arg8: memref<!tpu.dma_semaphore, #tpu.memory_space<semaphore_mem>>) attributes {dimension_semantics = [#tpu.dimension_semantics<core_parallel>, #tpu.dimension_semantics<subcore_parallel>], iteration_bounds = array<i64: 2, 16>, scalar_prefetch = 0 : i64, scratch_operands = 4 : i64, tpu.core_type = #tpu.core_type<sc_vector_subcore>, window_params = [{transform_indices = #map}, {transform_indices = #map1}, {transform_indices = #map2}]} {
    %mul3A = arith.constant 2 : i32
    %mul3A_0 = arith.muli %arg1, %mul3A : i32
    %add3A = arith.addi %mul3A_0, %arg0 : i32
    %mul3A_1 = arith.constant 512 : i32
    %mul3A_2 = arith.muli %add3A, %mul3A_1 : i32
    "tpu.region"() ({
      %run_scoped3A = tpu.sem_alloc : memref<!tpu.dma_semaphore, #tpu.memory_space<semaphore_mem>>
      %dma_start3A = arith.constant 0 : i32
      %dma_start3A_50 = tpu.memref_slice %arg5[%dma_start3A] : memref<528xi32, #tpu.memory_space<vmem>> -> memref<512xi32, #tpu.memory_space<vmem>>
      %dma_start3A_51 = tpu.memref_slice %arg3[%mul3A_2] : memref<16384xi32, #tpu.memory_space<hbm>> -> memref<512xi32, #tpu.memory_space<hbm>>
      %dma_start3A_52 = arith.constant 0 : i32
      %dma_start3A_53 = tpu.memref_slice %arg5[%dma_start3A_52] : memref<528xi32, #tpu.memory_space<vmem>> -> memref<512xi32, #tpu.memory_space<vmem>>
      %dma_start3A_54 = tpu.memref_slice %arg3[%mul3A_2] : memref<16384xi32, #tpu.memory_space<hbm>> -> memref<512xi32, #tpu.memory_space<hbm>>
      tpu.enqueue_dma source(%dma_start3A_54 : memref<512xi32, #tpu.memory_space<hbm>>) target(%dma_start3A_53 : memref<512xi32, #tpu.memory_space<vmem>>) target_semaphore(%run_scoped3A : memref<!tpu.dma_semaphore, #tpu.memory_space<semaphore_mem>>)
      %dma_wait3A = arith.constant 0 : i32
      %dma_wait3A_55 = tpu.memref_slice %arg5[%dma_wait3A] : memref<528xi32, #tpu.memory_space<vmem>> -> memref<512xi32, #tpu.memory_space<vmem>>
      %dma_wait3A_56 = tpu.memref_slice %arg3[%mul3A_2] : memref<16384xi32, #tpu.memory_space<hbm>> -> memref<512xi32, #tpu.memory_space<hbm>>
      %dma_wait3A_57 = arith.constant 0 : i32
      %dma_wait3A_58 = tpu.memref_slice %arg5[%dma_wait3A_57] : memref<528xi32, #tpu.memory_space<vmem>> -> memref<512xi32, #tpu.memory_space<vmem>>
      %dma_wait3A_59 = tpu.memref_slice %arg3[%mul3A_2] : memref<16384xi32, #tpu.memory_space<hbm>> -> memref<512xi32, #tpu.memory_space<hbm>>
      tpu.wait_dma2 semaphore(%run_scoped3A : memref<!tpu.dma_semaphore, #tpu.memory_space<semaphore_mem>>) src(%dma_wait3A_59 : memref<512xi32, #tpu.memory_space<hbm>>) dst(%dma_wait3A_58 : memref<512xi32, #tpu.memory_space<vmem>>)
      tpu.yield
    }) : () -> ()
    %iota3A = tpu.iota {dimensions = array<i32: 0>} : vector<16xi32>
    %jit3A = arith.constant 8 : i32
    %div3A = vector.broadcast %jit3A : i32 to vector<16xi32>
    %div3A_3 = arith.divsi %iota3A, %div3A : vector<16xi32>
    %sign3A = arith.constant 0 : i32
    %sign3A_4 = vector.broadcast %sign3A : i32 to vector<16xi32>
    %sign3A_5 = arith.cmpi sgt, %iota3A, %sign3A_4 : vector<16xi32>
    %sign3A_6 = arith.extui %sign3A_5 : vector<16xi1> to vector<16xi32>
    %sign3A_7 = arith.constant 0 : i32
    %sign3A_8 = vector.broadcast %sign3A_7 : i32 to vector<16xi32>
    %sign3A_9 = arith.cmpi slt, %iota3A, %sign3A_8 : vector<16xi32>
    %sign3A_10 = arith.extui %sign3A_9 : vector<16xi1> to vector<16xi32>
    %sign3A_11 = arith.subi %sign3A_6, %sign3A_10 : vector<16xi32>
    %sign3A_12 = arith.constant 0 : i32
    %sign3A_13 = arith.cmpi sgt, %jit3A, %sign3A_12 : i32
    %sign3A_14 = arith.extui %sign3A_13 : i1 to i32
    %sign3A_15 = arith.constant 0 : i32
    %sign3A_16 = arith.cmpi slt, %jit3A, %sign3A_15 : i32
    %sign3A_17 = arith.extui %sign3A_16 : i1 to i32
    %sign3A_18 = arith.subi %sign3A_14, %sign3A_17 : i32
    %ne3A = vector.broadcast %sign3A_18 : i32 to vector<16xi32>
    %ne3A_19 = arith.cmpi ne, %sign3A_11, %ne3A : vector<16xi32>
    %rem3A = vector.broadcast %jit3A : i32 to vector<16xi32>
    %rem3A_20 = arith.remsi %iota3A, %rem3A : vector<16xi32>
    %ne3A_21 = arith.constant 0 : i32
    %ne3A_22 = vector.broadcast %ne3A_21 : i32 to vector<16xi32>
    %ne3A_23 = arith.cmpi ne, %rem3A_20, %ne3A_22 : vector<16xi32>
    %and3A = arith.andi %ne3A_19, %ne3A_23 : vector<16xi1>
    %sub3A = arith.constant 1 : i32
    %sub3A_24 = vector.broadcast %sub3A : i32 to vector<16xi32>
    %sub3A_25 = arith.subi %div3A_3, %sub3A_24 : vector<16xi32>
    %select_n3A = arith.select %and3A, %sub3A_25, %div3A_3 : vector<16xi1>, vector<16xi32>
    %jit3A_26 = arith.constant 8 : i32
    %eq3A = arith.constant 0 : i32
    %eq3A_27 = arith.cmpi eq, %jit3A_26, %eq3A : i32
    %jit3A_28 = arith.constant 1 : i32
    %select_n3A_29 = arith.select %eq3A_27, %jit3A_28, %jit3A_26 : i32
    %rem3A_30 = vector.broadcast %select_n3A_29 : i32 to vector<16xi32>
    %rem3A_31 = arith.remsi %iota3A, %rem3A_30 : vector<16xi32>
    %ne3A_32 = arith.constant 0 : i32
    %ne3A_33 = vector.broadcast %ne3A_32 : i32 to vector<16xi32>
    %ne3A_34 = arith.cmpi ne, %rem3A_31, %ne3A_33 : vector<16xi32>
    %lt3A = arith.constant 0 : i32
    %lt3A_35 = vector.broadcast %lt3A : i32 to vector<16xi32>
    %lt3A_36 = arith.cmpi slt, %rem3A_31, %lt3A_35 : vector<16xi32>
    %lt3A_37 = arith.constant 0 : i32
    %lt3A_38 = arith.cmpi slt, %select_n3A_29, %lt3A_37 : i32
    %ne3A_39 = vector.broadcast %lt3A_38 : i1 to vector<16xi1>
    %ne3A_40 = vector.broadcast %ne3A_39 : vector<16xi1> to vector<16xi1>
    %ne3A_41 = arith.xori %lt3A_36, %ne3A_40 : vector<16xi1>
    %and3A_42 = arith.andi %ne3A_41, %ne3A_34 : vector<16xi1>
    %add3A_43 = vector.broadcast %select_n3A_29 : i32 to vector<16xi32>
    %add3A_44 = arith.addi %rem3A_31, %add3A_43 : vector<16xi32>
    %select_n3A_45 = arith.select %and3A_42, %add3A_44, %rem3A_31 : vector<16xi1>, vector<16xi32>
    %scan3A = arith.constant 0 : i32
    %scan3A_46 = arith.constant 64 : i32
    %scan3A_47 = arith.addi %scan3A, %scan3A_46 : i32
    %scan3A_48 = arith.constant 1 : i32
    scf.for %scan3A_50 = %scan3A to %scan3A_47 step %scan3A_48  : i32 {
      %mul3A_51 = arith.constant 8 : i32
      %mul3A_52 = arith.muli %scan3A_50, %mul3A_51 : i32
      %add3A_53 = arith.constant 0 : i32
      %add3A_54 = arith.addi %add3A_53, %mul3A_52 : i32
      %get3A = arith.index_cast %add3A_54 : i32 to index
      %get3A_55 = tpu.vector_load %arg5[%get3A] {strides = array<i32>} : memref<528xi32, #tpu.memory_space<vmem>>, vector<16xi32>,
      %slice3A = vector.extract_strided_slice %get3A_55 {offsets = [0], sizes = [1], strides = [1]} : vector<16xi32> to vector<1xi32>
      %squeeze3A = vector.extract %slice3A[0] : i32 from vector<1xi32>
      %shift_right_arithmetic3A = arith.constant 7 : i32
      %shift_right_arithmetic3A_56 = arith.shrsi %squeeze3A, %shift_right_arithmetic3A : i32
      %mul3A_57 = arith.constant 128 : i32
      %mul3A_58 = arith.muli %shift_right_arithmetic3A_56, %mul3A_57 : i32
      %dma_start3A = arith.constant 0 : i32
      %dma_start3A_59 = arith.constant 0 : i32
      %dma_start3A_60 = arith.constant 0 : i32
      %dma_start3A_61 = arith.constant 0 : i32
      %dma_start3A_62 = tpu.memref_slice %arg6[%dma_start3A, %dma_start3A_59, %dma_start3A_60, %dma_start3A_61] : memref<8x4x8x128xf32, #tpu.memory_space<vmem>> -> memref<1x4x8x128xf32, #tpu.memory_space<vmem>>
      %dma_start3A_63 = tpu.memref_squeeze %dma_start3A_62 : memref<1x4x8x128xf32, #tpu.memory_space<vmem>> -> memref<4x8x128xf32, #tpu.memory_space<vmem>>
      %dma_start3A_64 = arith.constant 0 : i32
      %dma_start3A_65 = arith.constant 0 : i32
      %dma_start3A_66 = tpu.memref_slice %arg2[%dma_start3A_64, %dma_start3A_65, %mul3A_58] : memref<4x8x1000000xf32, #tpu.memory_space<hbm>> -> memref<4x8x128xf32, #tpu.memory_space<hbm>>
      %dma_start3A_67 = arith.constant 0 : i32
      %dma_start3A_68 = arith.constant 0 : i32
      %dma_start3A_69 = arith.constant 0 : i32
      %dma_start3A_70 = tpu.memref_slice %arg6[%dma_start3A, %dma_start3A_67, %dma_start3A_68, %dma_start3A_69] : memref<8x4x8x128xf32, #tpu.memory_space<vmem>> -> memref<1x4x8x128xf32, #tpu.memory_space<vmem>>
      %dma_start3A_71 = tpu.memref_squeeze %dma_start3A_70 : memref<1x4x8x128xf32, #tpu.memory_space<vmem>> -> memref<4x8x128xf32, #tpu.memory_space<vmem>>
      %dma_start3A_72 = arith.constant 0 : i32
      %dma_start3A_73 = arith.constant 0 : i32
      %dma_start3A_74 = tpu.memref_slice %arg2[%dma_start3A_72, %dma_start3A_73, %mul3A_58] : memref<4x8x1000000xf32, #tpu.memory_space<hbm>> -> memref<4x8x128xf32, #tpu.memory_space<hbm>>
      tpu.enqueue_dma source(%dma_start3A_74 : memref<4x8x128xf32, #tpu.memory_space<hbm>>) target(%dma_start3A_71 : memref<4x8x128xf32, #tpu.memory_space<vmem>>) target_semaphore(%arg8 : memref<!tpu.dma_semaphore, #tpu.memory_space<semaphore_mem>>)
      %slice3A_75 = vector.extract_strided_slice %get3A_55 {offsets = [1], sizes = [1], strides = [1]} : vector<16xi32> to vector<1xi32>
      %squeeze3A_76 = vector.extract %slice3A_75[0] : i32 from vector<1xi32>
      %shift_right_arithmetic3A_77 = arith.constant 7 : i32
      %shift_right_arithmetic3A_78 = arith.shrsi %squeeze3A_76, %shift_right_arithmetic3A_77 : i32
      %mul3A_79 = arith.constant 128 : i32
      %mul3A_80 = arith.muli %shift_right_arithmetic3A_78, %mul3A_79 : i32
      %dma_start3A_81 = arith.constant 1 : i32
      %dma_start3A_82 = arith.constant 0 : i32
      %dma_start3A_83 = arith.constant 0 : i32
      %dma_start3A_84 = arith.constant 0 : i32
      %dma_start3A_85 = tpu.memref_slice %arg6[%dma_start3A_81, %dma_start3A_82, %dma_start3A_83, %dma_start3A_84] : memref<8x4x8x128xf32, #tpu.memory_space<vmem>> -> memref<1x4x8x128xf32, #tpu.memory_space<vmem>>
      %dma_start3A_86 = tpu.memref_squeeze %dma_start3A_85 : memref<1x4x8x128xf32, #tpu.memory_space<vmem>> -> memref<4x8x128xf32, #tpu.memory_space<vmem>>
      %dma_start3A_87 = arith.constant 0 : i32
      %dma_start3A_88 = arith.constant 0 : i32
      %dma_start3A_89 = tpu.memref_slice %arg2[%dma_start3A_87, %dma_start3A_88, %mul3A_80] : memref<4x8x1000000xf32, #tpu.memory_space<hbm>> -> memref<4x8x128xf32, #tpu.memory_space<hbm>>
      %dma_start3A_90 = arith.constant 0 : i32
      %dma_start3A_91 = arith.constant 0 : i32
      %dma_start3A_92 = arith.constant 0 : i32
      %dma_start3A_93 = tpu.memref_slice %arg6[%dma_start3A_81, %dma_start3A_90, %dma_start3A_91, %dma_start3A_92] : memref<8x4x8x128xf32, #tpu.memory_space<vmem>> -> memref<1x4x8x128xf32, #tpu.memory_space<vmem>>
      %dma_start3A_94 = tpu.memref_squeeze %dma_start3A_93 : memref<1x4x8x128xf32, #tpu.memory_space<vmem>> -> memref<4x8x128xf32, #tpu.memory_space<vmem>>
      %dma_start3A_95 = arith.constant 0 : i32
      %dma_start3A_96 = arith.constant 0 : i32
      %dma_start3A_97 = tpu.memref_slice %arg2[%dma_start3A_95, %dma_start3A_96, %mul3A_80] : memref<4x8x1000000xf32, #tpu.memory_space<hbm>> -> memref<4x8x128xf32, #tpu.memory_space<hbm>>
      tpu.enqueue_dma source(%dma_start3A_97 : memref<4x8x128xf32, #tpu.memory_space<hbm>>) target(%dma_start3A_94 : memref<4x8x128xf32, #tpu.memory_space<vmem>>) target_semaphore(%arg8 : memref<!tpu.dma_semaphore, #tpu.memory_space<semaphore_mem>>)
      %slice3A_98 = vector.extract_strided_slice %get3A_55 {offsets = [2], sizes = [1], strides = [1]} : vector<16xi32> to vector<1xi32>
      %squeeze3A_99 = vector.extract %slice3A_98[0] : i32 from vector<1xi32>
      %shift_right_arithmetic3A_100 = arith.constant 7 : i32
      %shift_right_arithmetic3A_101 = arith.shrsi %squeeze3A_99, %shift_right_arithmetic3A_100 : i32
      %mul3A_102 = arith.constant 128 : i32
      %mul3A_103 = arith.muli %shift_right_arithmetic3A_101, %mul3A_102 : i32
      %dma_start3A_104 = arith.constant 2 : i32
      %dma_start3A_105 = arith.constant 0 : i32
      %dma_start3A_106 = arith.constant 0 : i32
      %dma_start3A_107 = arith.constant 0 : i32
      %dma_start3A_108 = tpu.memref_slice %arg6[%dma_start3A_104, %dma_start3A_105, %dma_start3A_106, %dma_start3A_107] : memref<8x4x8x128xf32, #tpu.memory_space<vmem>> -> memref<1x4x8x128xf32, #tpu.memory_space<vmem>>
      %dma_start3A_109 = tpu.memref_squeeze %dma_start3A_108 : memref<1x4x8x128xf32, #tpu.memory_space<vmem>> -> memref<4x8x128xf32, #tpu.memory_space<vmem>>
      %dma_start3A_110 = arith.constant 0 : i32
      %dma_start3A_111 = arith.constant 0 : i32
      %dma_start3A_112 = tpu.memref_slice %arg2[%dma_start3A_110, %dma_start3A_111, %mul3A_103] : memref<4x8x1000000xf32, #tpu.memory_space<hbm>> -> memref<4x8x128xf32, #tpu.memory_space<hbm>>
      %dma_start3A_113 = arith.constant 0 : i32
      %dma_start3A_114 = arith.constant 0 : i32
      %dma_start3A_115 = arith.constant 0 : i32
      %dma_start3A_116 = tpu.memref_slice %arg6[%dma_start3A_104, %dma_start3A_113, %dma_start3A_114, %dma_start3A_115] : memref<8x4x8x128xf32, #tpu.memory_space<vmem>> -> memref<1x4x8x128xf32, #tpu.memory_space<vmem>>
      %dma_start3A_117 = tpu.memref_squeeze %dma_start3A_116 : memref<1x4x8x128xf32, #tpu.memory_space<vmem>> -> memref<4x8x128xf32, #tpu.memory_space<vmem>>
      %dma_start3A_118 = arith.constant 0 : i32
      %dma_start3A_119 = arith.constant 0 : i32
      %dma_start3A_120 = tpu.memref_slice %arg2[%dma_start3A_118, %dma_start3A_119, %mul3A_103] : memref<4x8x1000000xf32, #tpu.memory_space<hbm>> -> memref<4x8x128xf32, #tpu.memory_space<hbm>>
      tpu.enqueue_dma source(%dma_start3A_120 : memref<4x8x128xf32, #tpu.memory_space<hbm>>) target(%dma_start3A_117 : memref<4x8x128xf32, #tpu.memory_space<vmem>>) target_semaphore(%arg8 : memref<!tpu.dma_semaphore, #tpu.memory_space<semaphore_mem>>)
      %slice3A_121 = vector.extract_strided_slice %get3A_55 {offsets = [3], sizes = [1], strides = [1]} : vector<16xi32> to vector<1xi32>
      %squeeze3A_122 = vector.extract %slice3A_121[0] : i32 from vector<1xi32>
      %shift_right_arithmetic3A_123 = arith.constant 7 : i32
      %shift_right_arithmetic3A_124 = arith.shrsi %squeeze3A_122, %shift_right_arithmetic3A_123 : i32
      %mul3A_125 = arith.constant 128 : i32
      %mul3A_126 = arith.muli %shift_right_arithmetic3A_124, %mul3A_125 : i32
      %dma_start3A_127 = arith.constant 3 : i32
      %dma_start3A_128 = arith.constant 0 : i32
      %dma_start3A_129 = arith.constant 0 : i32
      %dma_start3A_130 = arith.constant 0 : i32
      %dma_start3A_131 = tpu.memref_slice %arg6[%dma_start3A_127, %dma_start3A_128, %dma_start3A_129, %dma_start3A_130] : memref<8x4x8x128xf32, #tpu.memory_space<vmem>> -> memref<1x4x8x128xf32, #tpu.memory_space<vmem>>
      %dma_start3A_132 = tpu.memref_squeeze %dma_start3A_131 : memref<1x4x8x128xf32, #tpu.memory_space<vmem>> -> memref<4x8x128xf32, #tpu.memory_space<vmem>>
      %dma_start3A_133 = arith.constant 0 : i32
      %dma_start3A_134 = arith.constant 0 : i32
      %dma_start3A_135 = tpu.memref_slice %arg2[%dma_start3A_133, %dma_start3A_134, %mul3A_126] : memref<4x8x1000000xf32, #tpu.memory_space<hbm>> -> memref<4x8x128xf32, #tpu.memory_space<hbm>>
      %dma_start3A_136 = arith.constant 0 : i32
      %dma_start3A_137 = arith.constant 0 : i32
      %dma_start3A_138 = arith.constant 0 : i32
      %dma_start3A_139 = tpu.memref_slice %arg6[%dma_start3A_127, %dma_start3A_136, %dma_start3A_137, %dma_start3A_138] : memref<8x4x8x128xf32, #tpu.memory_space<vmem>> -> memref<1x4x8x128xf32, #tpu.memory_space<vmem>>
      %dma_start3A_140 = tpu.memref_squeeze %dma_start3A_139 : memref<1x4x8x128xf32, #tpu.memory_space<vmem>> -> memref<4x8x128xf32, #tpu.memory_space<vmem>>
      %dma_start3A_141 = arith.constant 0 : i32
      %dma_start3A_142 = arith.constant 0 : i32
      %dma_start3A_143 = tpu.memref_slice %arg2[%dma_start3A_141, %dma_start3A_142, %mul3A_126] : memref<4x8x1000000xf32, #tpu.memory_space<hbm>> -> memref<4x8x128xf32, #tpu.memory_space<hbm>>
      tpu.enqueue_dma source(%dma_start3A_143 : memref<4x8x128xf32, #tpu.memory_space<hbm>>) target(%dma_start3A_140 : memref<4x8x128xf32, #tpu.memory_space<vmem>>) target_semaphore(%arg8 : memref<!tpu.dma_semaphore, #tpu.memory_space<semaphore_mem>>)
      %slice3A_144 = vector.extract_strided_slice %get3A_55 {offsets = [4], sizes = [1], strides = [1]} : vector<16xi32> to vector<1xi32>
      %squeeze3A_145 = vector.extract %slice3A_144[0] : i32 from vector<1xi32>
      %shift_right_arithmetic3A_146 = arith.constant 7 : i32
      %shift_right_arithmetic3A_147 = arith.shrsi %squeeze3A_145, %shift_right_arithmetic3A_146 : i32
      %mul3A_148 = arith.constant 128 : i32
      %mul3A_149 = arith.muli %shift_right_arithmetic3A_147, %mul3A_148 : i32
      %dma_start3A_150 = arith.constant 4 : i32
      %dma_start3A_151 = arith.constant 0 : i32
      %dma_start3A_152 = arith.constant 0 : i32
      %dma_start3A_153 = arith.constant 0 : i32
      %dma_start3A_154 = tpu.memref_slice %arg6[%dma_start3A_150, %dma_start3A_151, %dma_start3A_152, %dma_start3A_153] : memref<8x4x8x128xf32, #tpu.memory_space<vmem>> -> memref<1x4x8x128xf32, #tpu.memory_space<vmem>>
      %dma_start3A_155 = tpu.memref_squeeze %dma_start3A_154 : memref<1x4x8x128xf32, #tpu.memory_space<vmem>> -> memref<4x8x128xf32, #tpu.memory_space<vmem>>
      %dma_start3A_156 = arith.constant 0 : i32
      %dma_start3A_157 = arith.constant 0 : i32
      %dma_start3A_158 = tpu.memref_slice %arg2[%dma_start3A_156, %dma_start3A_157, %mul3A_149] : memref<4x8x1000000xf32, #tpu.memory_space<hbm>> -> memref<4x8x128xf32, #tpu.memory_space<hbm>>
      %dma_start3A_159 = arith.constant 0 : i32
      %dma_start3A_160 = arith.constant 0 : i32
      %dma_start3A_161 = arith.constant 0 : i32
      %dma_start3A_162 = tpu.memref_slice %arg6[%dma_start3A_150, %dma_start3A_159, %dma_start3A_160, %dma_start3A_161] : memref<8x4x8x128xf32, #tpu.memory_space<vmem>> -> memref<1x4x8x128xf32, #tpu.memory_space<vmem>>
      %dma_start3A_163 = tpu.memref_squeeze %dma_start3A_162 : memref<1x4x8x128xf32, #tpu.memory_space<vmem>> -> memref<4x8x128xf32, #tpu.memory_space<vmem>>
      %dma_start3A_164 = arith.constant 0 : i32
      %dma_start3A_165 = arith.constant 0 : i32
      %dma_start3A_166 = tpu.memref_slice %arg2[%dma_start3A_164, %dma_start3A_165, %mul3A_149] : memref<4x8x1000000xf32, #tpu.memory_space<hbm>> -> memref<4x8x128xf32, #tpu.memory_space<hbm>>
      tpu.enqueue_dma source(%dma_start3A_166 : memref<4x8x128xf32, #tpu.memory_space<hbm>>) target(%dma_start3A_163 : memref<4x8x128xf32, #tpu.memory_space<vmem>>) target_semaphore(%arg8 : memref<!tpu.dma_semaphore, #tpu.memory_space<semaphore_mem>>)
      %slice3A_167 = vector.extract_strided_slice %get3A_55 {offsets = [5], sizes = [1], strides = [1]} : vector<16xi32> to vector<1xi32>
      %squeeze3A_168 = vector.extract %slice3A_167[0] : i32 from vector<1xi32>
      %shift_right_arithmetic3A_169 = arith.constant 7 : i32
      %shift_right_arithmetic3A_170 = arith.shrsi %squeeze3A_168, %shift_right_arithmetic3A_169 : i32
      %mul3A_171 = arith.constant 128 : i32
      %mul3A_172 = arith.muli %shift_right_arithmetic3A_170, %mul3A_171 : i32
      %dma_start3A_173 = arith.constant 5 : i32
      %dma_start3A_174 = arith.constant 0 : i32
      %dma_start3A_175 = arith.constant 0 : i32
      %dma_start3A_176 = arith.constant 0 : i32
      %dma_start3A_177 = tpu.memref_slice %arg6[%dma_start3A_173, %dma_start3A_174, %dma_start3A_175, %dma_start3A_176] : memref<8x4x8x128xf32, #tpu.memory_space<vmem>> -> memref<1x4x8x128xf32, #tpu.memory_space<vmem>>
      %dma_start3A_178 = tpu.memref_squeeze %dma_start3A_177 : memref<1x4x8x128xf32, #tpu.memory_space<vmem>> -> memref<4x8x128xf32, #tpu.memory_space<vmem>>
      %dma_start3A_179 = arith.constant 0 : i32
      %dma_start3A_180 = arith.constant 0 : i32
      %dma_start3A_181 = tpu.memref_slice %arg2[%dma_start3A_179, %dma_start3A_180, %mul3A_172] : memref<4x8x1000000xf32, #tpu.memory_space<hbm>> -> memref<4x8x128xf32, #tpu.memory_space<hbm>>
      %dma_start3A_182 = arith.constant 0 : i32
      %dma_start3A_183 = arith.constant 0 : i32
      %dma_start3A_184 = arith.constant 0 : i32
      %dma_start3A_185 = tpu.memref_slice %arg6[%dma_start3A_173, %dma_start3A_182, %dma_start3A_183, %dma_start3A_184] : memref<8x4x8x128xf32, #tpu.memory_space<vmem>> -> memref<1x4x8x128xf32, #tpu.memory_space<vmem>>
      %dma_start3A_186 = tpu.memref_squeeze %dma_start3A_185 : memref<1x4x8x128xf32, #tpu.memory_space<vmem>> -> memref<4x8x128xf32, #tpu.memory_space<vmem>>
      %dma_start3A_187 = arith.constant 0 : i32
      %dma_start3A_188 = arith.constant 0 : i32
      %dma_start3A_189 = tpu.memref_slice %arg2[%dma_start3A_187, %dma_start3A_188, %mul3A_172] : memref<4x8x1000000xf32, #tpu.memory_space<hbm>> -> memref<4x8x128xf32, #tpu.memory_space<hbm>>
      tpu.enqueue_dma source(%dma_start3A_189 : memref<4x8x128xf32, #tpu.memory_space<hbm>>) target(%dma_start3A_186 : memref<4x8x128xf32, #tpu.memory_space<vmem>>) target_semaphore(%arg8 : memref<!tpu.dma_semaphore, #tpu.memory_space<semaphore_mem>>)
      %slice3A_190 = vector.extract_strided_slice %get3A_55 {offsets = [6], sizes = [1], strides = [1]} : vector<16xi32> to vector<1xi32>
      %squeeze3A_191 = vector.extract %slice3A_190[0] : i32 from vector<1xi32>
      %shift_right_arithmetic3A_192 = arith.constant 7 : i32
      %shift_right_arithmetic3A_193 = arith.shrsi %squeeze3A_191, %shift_right_arithmetic3A_192 : i32
      %mul3A_194 = arith.constant 128 : i32
      %mul3A_195 = arith.muli %shift_right_arithmetic3A_193, %mul3A_194 : i32
      %dma_start3A_196 = arith.constant 6 : i32
      %dma_start3A_197 = arith.constant 0 : i32
      %dma_start3A_198 = arith.constant 0 : i32
      %dma_start3A_199 = arith.constant 0 : i32
      %dma_start3A_200 = tpu.memref_slice %arg6[%dma_start3A_196, %dma_start3A_197, %dma_start3A_198, %dma_start3A_199] : memref<8x4x8x128xf32, #tpu.memory_space<vmem>> -> memref<1x4x8x128xf32, #tpu.memory_space<vmem>>
      %dma_start3A_201 = tpu.memref_squeeze %dma_start3A_200 : memref<1x4x8x128xf32, #tpu.memory_space<vmem>> -> memref<4x8x128xf32, #tpu.memory_space<vmem>>
      %dma_start3A_202 = arith.constant 0 : i32
      %dma_start3A_203 = arith.constant 0 : i32
      %dma_start3A_204 = tpu.memref_slice %arg2[%dma_start3A_202, %dma_start3A_203, %mul3A_195] : memref<4x8x1000000xf32, #tpu.memory_space<hbm>> -> memref<4x8x128xf32, #tpu.memory_space<hbm>>
      %dma_start3A_205 = arith.constant 0 : i32
      %dma_start3A_206 = arith.constant 0 : i32
      %dma_start3A_207 = arith.constant 0 : i32
      %dma_start3A_208 = tpu.memref_slice %arg6[%dma_start3A_196, %dma_start3A_205, %dma_start3A_206, %dma_start3A_207] : memref<8x4x8x128xf32, #tpu.memory_space<vmem>> -> memref<1x4x8x128xf32, #tpu.memory_space<vmem>>
      %dma_start3A_209 = tpu.memref_squeeze %dma_start3A_208 : memref<1x4x8x128xf32, #tpu.memory_space<vmem>> -> memref<4x8x128xf32, #tpu.memory_space<vmem>>
      %dma_start3A_210 = arith.constant 0 : i32
      %dma_start3A_211 = arith.constant 0 : i32
      %dma_start3A_212 = tpu.memref_slice %arg2[%dma_start3A_210, %dma_start3A_211, %mul3A_195] : memref<4x8x1000000xf32, #tpu.memory_space<hbm>> -> memref<4x8x128xf32, #tpu.memory_space<hbm>>
      tpu.enqueue_dma source(%dma_start3A_212 : memref<4x8x128xf32, #tpu.memory_space<hbm>>) target(%dma_start3A_209 : memref<4x8x128xf32, #tpu.memory_space<vmem>>) target_semaphore(%arg8 : memref<!tpu.dma_semaphore, #tpu.memory_space<semaphore_mem>>)
      %slice3A_213 = vector.extract_strided_slice %get3A_55 {offsets = [7], sizes = [1], strides = [1]} : vector<16xi32> to vector<1xi32>
      %squeeze3A_214 = vector.extract %slice3A_213[0] : i32 from vector<1xi32>
      %shift_right_arithmetic3A_215 = arith.constant 7 : i32
      %shift_right_arithmetic3A_216 = arith.shrsi %squeeze3A_214, %shift_right_arithmetic3A_215 : i32
      %mul3A_217 = arith.constant 128 : i32
      %mul3A_218 = arith.muli %shift_right_arithmetic3A_216, %mul3A_217 : i32
      %dma_start3A_219 = arith.constant 7 : i32
      %dma_start3A_220 = arith.constant 0 : i32
      %dma_start3A_221 = arith.constant 0 : i32
      %dma_start3A_222 = arith.constant 0 : i32
      %dma_start3A_223 = tpu.memref_slice %arg6[%dma_start3A_219, %dma_start3A_220, %dma_start3A_221, %dma_start3A_222] : memref<8x4x8x128xf32, #tpu.memory_space<vmem>> -> memref<1x4x8x128xf32, #tpu.memory_space<vmem>>
      %dma_start3A_224 = tpu.memref_squeeze %dma_start3A_223 : memref<1x4x8x128xf32, #tpu.memory_space<vmem>> -> memref<4x8x128xf32, #tpu.memory_space<vmem>>
      %dma_start3A_225 = arith.constant 0 : i32
      %dma_start3A_226 = arith.constant 0 : i32
      %dma_start3A_227 = tpu.memref_slice %arg2[%dma_start3A_225, %dma_start3A_226, %mul3A_218] : memref<4x8x1000000xf32, #tpu.memory_space<hbm>> -> memref<4x8x128xf32, #tpu.memory_space<hbm>>
      %dma_start3A_228 = arith.constant 0 : i32
      %dma_start3A_229 = arith.constant 0 : i32
      %dma_start3A_230 = arith.constant 0 : i32
      %dma_start3A_231 = tpu.memref_slice %arg6[%dma_start3A_219, %dma_start3A_228, %dma_start3A_229, %dma_start3A_230] : memref<8x4x8x128xf32, #tpu.memory_space<vmem>> -> memref<1x4x8x128xf32, #tpu.memory_space<vmem>>
      %dma_start3A_232 = tpu.memref_squeeze %dma_start3A_231 : memref<1x4x8x128xf32, #tpu.memory_space<vmem>> -> memref<4x8x128xf32, #tpu.memory_space<vmem>>
      %dma_start3A_233 = arith.constant 0 : i32
      %dma_start3A_234 = arith.constant 0 : i32
      %dma_start3A_235 = tpu.memref_slice %arg2[%dma_start3A_233, %dma_start3A_234, %mul3A_218] : memref<4x8x1000000xf32, #tpu.memory_space<hbm>> -> memref<4x8x128xf32, #tpu.memory_space<hbm>>
      tpu.enqueue_dma source(%dma_start3A_235 : memref<4x8x128xf32, #tpu.memory_space<hbm>>) target(%dma_start3A_232 : memref<4x8x128xf32, #tpu.memory_space<vmem>>) target_semaphore(%arg8 : memref<!tpu.dma_semaphore, #tpu.memory_space<semaphore_mem>>)
      %dma_wait3A = arith.constant 0 : i32
      %dma_wait3A_236 = arith.constant 0 : i32
      %dma_wait3A_237 = arith.constant 0 : i32
      %dma_wait3A_238 = arith.constant 0 : i32
      %dma_wait3A_239 = tpu.memref_slice %arg6[%dma_wait3A, %dma_wait3A_236, %dma_wait3A_237, %dma_wait3A_238] : memref<8x4x8x128xf32, #tpu.memory_space<vmem>> -> memref<1x4x8x128xf32, #tpu.memory_space<vmem>>
      %dma_wait3A_240 = tpu.memref_squeeze %dma_wait3A_239 : memref<1x4x8x128xf32, #tpu.memory_space<vmem>> -> memref<4x8x128xf32, #tpu.memory_space<vmem>>
      %dma_wait3A_241 = arith.constant 0 : i32
      %dma_wait3A_242 = arith.constant 0 : i32
      %dma_wait3A_243 = tpu.memref_slice %arg2[%dma_wait3A_241, %dma_wait3A_242, %mul3A_58] : memref<4x8x1000000xf32, #tpu.memory_space<hbm>> -> memref<4x8x128xf32, #tpu.memory_space<hbm>>
      %dma_wait3A_244 = arith.constant 0 : i32
      %dma_wait3A_245 = arith.constant 0 : i32
      %dma_wait3A_246 = arith.constant 0 : i32
      %dma_wait3A_247 = tpu.memref_slice %arg6[%dma_wait3A, %dma_wait3A_244, %dma_wait3A_245, %dma_wait3A_246] : memref<8x4x8x128xf32, #tpu.memory_space<vmem>> -> memref<1x4x8x128xf32, #tpu.memory_space<vmem>>
      %dma_wait3A_248 = tpu.memref_squeeze %dma_wait3A_247 : memref<1x4x8x128xf32, #tpu.memory_space<vmem>> -> memref<4x8x128xf32, #tpu.memory_space<vmem>>
      %dma_wait3A_249 = arith.constant 0 : i32
      %dma_wait3A_250 = arith.constant 0 : i32
      %dma_wait3A_251 = tpu.memref_slice %arg2[%dma_wait3A_249, %dma_wait3A_250, %mul3A_58] : memref<4x8x1000000xf32, #tpu.memory_space<hbm>> -> memref<4x8x128xf32, #tpu.memory_space<hbm>>
      tpu.wait_dma2 semaphore(%arg8 : memref<!tpu.dma_semaphore, #tpu.memory_space<semaphore_mem>>) src(%dma_wait3A_251 : memref<4x8x128xf32, #tpu.memory_space<hbm>>) dst(%dma_wait3A_248 : memref<4x8x128xf32, #tpu.memory_space<vmem>>)
      %slice3A_252 = vector.extract_strided_slice %get3A_55 {offsets = [0], sizes = [1], strides = [1]} : vector<16xi32> to vector<1xi32>
      %squeeze3A_253 = vector.extract %slice3A_252[0] : i32 from vector<1xi32>
      %and3A_254 = arith.constant 127 : i32
      %and3A_255 = arith.andi %squeeze3A_253, %and3A_254 : i32
      %broadcast_in_dim3A = vector.broadcast %and3A_255 : i32 to vector<16xi32>
      %gather3A = arith.constant 0 : i32
      %gather3A_256 = arith.constant 0 : i32
      %gather3A_257 = arith.constant 0 : i32
      %gather3A_258 = arith.constant 0 : i32
      %gather3A_259 = tpu.memref_slice %arg6[%gather3A, %gather3A_256, %gather3A_257, %gather3A_258] : memref<8x4x8x128xf32, #tpu.memory_space<vmem>> -> memref<1x4x8x128xf32, #tpu.memory_space<vmem>>
      %gather3A_260 = tpu.memref_squeeze %gather3A_259 : memref<1x4x8x128xf32, #tpu.memory_space<vmem>> -> memref<4x8x128xf32, #tpu.memory_space<vmem>>
      %gather3A_261 = tpu.vector_load_idx %gather3A_260[%select_n3A, %select_n3A_45, %broadcast_in_dim3A] : memref<4x8x128xf32, #tpu.memory_space<vmem>>[vector<16xi32>, vector<16xi32>, vector<16xi32>], vector<16xf32>,
      %add3A_262 = arith.constant 2 : i32
      %add3A_263 = vector.broadcast %add3A_262 : i32 to vector<16xi32>
      %add3A_264 = arith.addi %select_n3A, %add3A_263 : vector<16xi32>
      %gather3A_265 = arith.constant 0 : i32
      %gather3A_266 = arith.constant 0 : i32
      %gather3A_267 = arith.constant 0 : i32
      %gather3A_268 = arith.constant 0 : i32
      %gather3A_269 = tpu.memref_slice %arg6[%gather3A_265, %gather3A_266, %gather3A_267, %gather3A_268] : memref<8x4x8x128xf32, #tpu.memory_space<vmem>> -> memref<1x4x8x128xf32, #tpu.memory_space<vmem>>
      %gather3A_270 = tpu.memref_squeeze %gather3A_269 : memref<1x4x8x128xf32, #tpu.memory_space<vmem>> -> memref<4x8x128xf32, #tpu.memory_space<vmem>>
      %gather3A_271 = tpu.vector_load_idx %gather3A_270[%add3A_264, %select_n3A_45, %broadcast_in_dim3A] : memref<4x8x128xf32, #tpu.memory_space<vmem>>[vector<16xi32>, vector<16xi32>, vector<16xi32>], vector<16xf32>,
      %add3A_272 = arith.constant 0 : i32
      %add3A_273 = arith.addi %add3A_54, %add3A_272 : i32
      %swap3A = arith.index_cast %add3A_273 : i32 to index
      %swap3A_274 = arith.constant 0 : index
      %swap3A_275 = tpu.vector_load %arg7[%swap3A, %swap3A_274] {strides = array<i32>} : memref<512x32xf32, #tpu.memory_space<vmem>>, vector<16xf32>,
      tpu.vector_store %arg7[%swap3A, %swap3A_274], %gather3A_261 {strides = array<i32>} : memref<512x32xf32, #tpu.memory_space<vmem>>, vector<16xf32>,
      %add3A_276 = arith.constant 0 : i32
      %add3A_277 = arith.addi %add3A_54, %add3A_276 : i32
      %swap3A_278 = arith.index_cast %add3A_277 : i32 to index
      %swap3A_279 = arith.constant 16 : index
      %swap3A_280 = tpu.vector_load %arg7[%swap3A_278, %swap3A_279] {strides = array<i32>} : memref<512x32xf32, #tpu.memory_space<vmem>>, vector<16xf32>,
      tpu.vector_store %arg7[%swap3A_278, %swap3A_279], %gather3A_271 {strides = array<i32>} : memref<512x32xf32, #tpu.memory_space<vmem>>, vector<16xf32>,
      %dma_wait3A_281 = arith.constant 1 : i32
      %dma_wait3A_282 = arith.constant 0 : i32
      %dma_wait3A_283 = arith.constant 0 : i32
      %dma_wait3A_284 = arith.constant 0 : i32
      %dma_wait3A_285 = tpu.memref_slice %arg6[%dma_wait3A_281, %dma_wait3A_282, %dma_wait3A_283, %dma_wait3A_284] : memref<8x4x8x128xf32, #tpu.memory_space<vmem>> -> memref<1x4x8x128xf32, #tpu.memory_space<vmem>>
      %dma_wait3A_286 = tpu.memref_squeeze %dma_wait3A_285 : memref<1x4x8x128xf32, #tpu.memory_space<vmem>> -> memref<4x8x128xf32, #tpu.memory_space<vmem>>
      %dma_wait3A_287 = arith.constant 0 : i32
      %dma_wait3A_288 = arith.constant 0 : i32
      %dma_wait3A_289 = tpu.memref_slice %arg2[%dma_wait3A_287, %dma_wait3A_288, %mul3A_80] : memref<4x8x1000000xf32, #tpu.memory_space<hbm>> -> memref<4x8x128xf32, #tpu.memory_space<hbm>>
      %dma_wait3A_290 = arith.constant 0 : i32
      %dma_wait3A_291 = arith.constant 0 : i32
      %dma_wait3A_292 = arith.constant 0 : i32
      %dma_wait3A_293 = tpu.memref_slice %arg6[%dma_wait3A_281, %dma_wait3A_290, %dma_wait3A_291, %dma_wait3A_292] : memref<8x4x8x128xf32, #tpu.memory_space<vmem>> -> memref<1x4x8x128xf32, #tpu.memory_space<vmem>>
      %dma_wait3A_294 = tpu.memref_squeeze %dma_wait3A_293 : memref<1x4x8x128xf32, #tpu.memory_space<vmem>> -> memref<4x8x128xf32, #tpu.memory_space<vmem>>
      %dma_wait3A_295 = arith.constant 0 : i32
      %dma_wait3A_296 = arith.constant 0 : i32
      %dma_wait3A_297 = tpu.memref_slice %arg2[%dma_wait3A_295, %dma_wait3A_296, %mul3A_80] : memref<4x8x1000000xf32, #tpu.memory_space<hbm>> -> memref<4x8x128xf32, #tpu.memory_space<hbm>>
      tpu.wait_dma2 semaphore(%arg8 : memref<!tpu.dma_semaphore, #tpu.memory_space<semaphore_mem>>) src(%dma_wait3A_297 : memref<4x8x128xf32, #tpu.memory_space<hbm>>) dst(%dma_wait3A_294 : memref<4x8x128xf32, #tpu.memory_space<vmem>>)
      %slice3A_298 = vector.extract_strided_slice %get3A_55 {offsets = [1], sizes = [1], strides = [1]} : vector<16xi32> to vector<1xi32>
      %squeeze3A_299 = vector.extract %slice3A_298[0] : i32 from vector<1xi32>
      %and3A_300 = arith.constant 127 : i32
      %and3A_301 = arith.andi %squeeze3A_299, %and3A_300 : i32
      %broadcast_in_dim3A_302 = vector.broadcast %and3A_301 : i32 to vector<16xi32>
      %gather3A_303 = arith.constant 1 : i32
      %gather3A_304 = arith.constant 0 : i32
      %gather3A_305 = arith.constant 0 : i32
      %gather3A_306 = arith.constant 0 : i32
      %gather3A_307 = tpu.memref_slice %arg6[%gather3A_303, %gather3A_304, %gather3A_305, %gather3A_306] : memref<8x4x8x128xf32, #tpu.memory_space<vmem>> -> memref<1x4x8x128xf32, #tpu.memory_space<vmem>>
      %gather3A_308 = tpu.memref_squeeze %gather3A_307 : memref<1x4x8x128xf32, #tpu.memory_space<vmem>> -> memref<4x8x128xf32, #tpu.memory_space<vmem>>
      %gather3A_309 = tpu.vector_load_idx %gather3A_308[%select_n3A, %select_n3A_45, %broadcast_in_dim3A_302] : memref<4x8x128xf32, #tpu.memory_space<vmem>>[vector<16xi32>, vector<16xi32>, vector<16xi32>], vector<16xf32>,
      %add3A_310 = arith.constant 2 : i32
      %add3A_311 = vector.broadcast %add3A_310 : i32 to vector<16xi32>
      %add3A_312 = arith.addi %select_n3A, %add3A_311 : vector<16xi32>
      %gather3A_313 = arith.constant 1 : i32
      %gather3A_314 = arith.constant 0 : i32
      %gather3A_315 = arith.constant 0 : i32
      %gather3A_316 = arith.constant 0 : i32
      %gather3A_317 = tpu.memref_slice %arg6[%gather3A_313, %gather3A_314, %gather3A_315, %gather3A_316] : memref<8x4x8x128xf32, #tpu.memory_space<vmem>> -> memref<1x4x8x128xf32, #tpu.memory_space<vmem>>
      %gather3A_318 = tpu.memref_squeeze %gather3A_317 : memref<1x4x8x128xf32, #tpu.memory_space<vmem>> -> memref<4x8x128xf32, #tpu.memory_space<vmem>>
      %gather3A_319 = tpu.vector_load_idx %gather3A_318[%add3A_312, %select_n3A_45, %broadcast_in_dim3A_302] : memref<4x8x128xf32, #tpu.memory_space<vmem>>[vector<16xi32>, vector<16xi32>, vector<16xi32>], vector<16xf32>,
      %add3A_320 = arith.constant 1 : i32
      %add3A_321 = arith.addi %add3A_54, %add3A_320 : i32
      %swap3A_322 = arith.index_cast %add3A_321 : i32 to index
      %swap3A_323 = arith.constant 0 : index
      %swap3A_324 = tpu.vector_load %arg7[%swap3A_322, %swap3A_323] {strides = array<i32>} : memref<512x32xf32, #tpu.memory_space<vmem>>, vector<16xf32>,
      tpu.vector_store %arg7[%swap3A_322, %swap3A_323], %gather3A_309 {strides = array<i32>} : memref<512x32xf32, #tpu.memory_space<vmem>>, vector<16xf32>,
      %add3A_325 = arith.constant 1 : i32
      %add3A_326 = arith.addi %add3A_54, %add3A_325 : i32
      %swap3A_327 = arith.index_cast %add3A_326 : i32 to index
      %swap3A_328 = arith.constant 16 : index
      %swap3A_329 = tpu.vector_load %arg7[%swap3A_327, %swap3A_328] {strides = array<i32>} : memref<512x32xf32, #tpu.memory_space<vmem>>, vector<16xf32>,
      tpu.vector_store %arg7[%swap3A_327, %swap3A_328], %gather3A_319 {strides = array<i32>} : memref<512x32xf32, #tpu.memory_space<vmem>>, vector<16xf32>,
      %dma_wait3A_330 = arith.constant 2 : i32
      %dma_wait3A_331 = arith.constant 0 : i32
      %dma_wait3A_332 = arith.constant 0 : i32
      %dma_wait3A_333 = arith.constant 0 : i32
      %dma_wait3A_334 = tpu.memref_slice %arg6[%dma_wait3A_330, %dma_wait3A_331, %dma_wait3A_332, %dma_wait3A_333] : memref<8x4x8x128xf32, #tpu.memory_space<vmem>> -> memref<1x4x8x128xf32, #tpu.memory_space<vmem>>
      %dma_wait3A_335 = tpu.memref_squeeze %dma_wait3A_334 : memref<1x4x8x128xf32, #tpu.memory_space<vmem>> -> memref<4x8x128xf32, #tpu.memory_space<vmem>>
      %dma_wait3A_336 = arith.constant 0 : i32
      %dma_wait3A_337 = arith.constant 0 : i32
      %dma_wait3A_338 = tpu.memref_slice %arg2[%dma_wait3A_336, %dma_wait3A_337, %mul3A_103] : memref<4x8x1000000xf32, #tpu.memory_space<hbm>> -> memref<4x8x128xf32, #tpu.memory_space<hbm>>
      %dma_wait3A_339 = arith.constant 0 : i32
      %dma_wait3A_340 = arith.constant 0 : i32
      %dma_wait3A_341 = arith.constant 0 : i32
      %dma_wait3A_342 = tpu.memref_slice %arg6[%dma_wait3A_330, %dma_wait3A_339, %dma_wait3A_340, %dma_wait3A_341] : memref<8x4x8x128xf32, #tpu.memory_space<vmem>> -> memref<1x4x8x128xf32, #tpu.memory_space<vmem>>
      %dma_wait3A_343 = tpu.memref_squeeze %dma_wait3A_342 : memref<1x4x8x128xf32, #tpu.memory_space<vmem>> -> memref<4x8x128xf32, #tpu.memory_space<vmem>>
      %dma_wait3A_344 = arith.constant 0 : i32
      %dma_wait3A_345 = arith.constant 0 : i32
      %dma_wait3A_346 = tpu.memref_slice %arg2[%dma_wait3A_344, %dma_wait3A_345, %mul3A_103] : memref<4x8x1000000xf32, #tpu.memory_space<hbm>> -> memref<4x8x128xf32, #tpu.memory_space<hbm>>
      tpu.wait_dma2 semaphore(%arg8 : memref<!tpu.dma_semaphore, #tpu.memory_space<semaphore_mem>>) src(%dma_wait3A_346 : memref<4x8x128xf32, #tpu.memory_space<hbm>>) dst(%dma_wait3A_343 : memref<4x8x128xf32, #tpu.memory_space<vmem>>)
      %slice3A_347 = vector.extract_strided_slice %get3A_55 {offsets = [2], sizes = [1], strides = [1]} : vector<16xi32> to vector<1xi32>
      %squeeze3A_348 = vector.extract %slice3A_347[0] : i32 from vector<1xi32>
      %and3A_349 = arith.constant 127 : i32
      %and3A_350 = arith.andi %squeeze3A_348, %and3A_349 : i32
      %broadcast_in_dim3A_351 = vector.broadcast %and3A_350 : i32 to vector<16xi32>
      %gather3A_352 = arith.constant 2 : i32
      %gather3A_353 = arith.constant 0 : i32
      %gather3A_354 = arith.constant 0 : i32
      %gather3A_355 = arith.constant 0 : i32
      %gather3A_356 = tpu.memref_slice %arg6[%gather3A_352, %gather3A_353, %gather3A_354, %gather3A_355] : memref<8x4x8x128xf32, #tpu.memory_space<vmem>> -> memref<1x4x8x128xf32, #tpu.memory_space<vmem>>
      %gather3A_357 = tpu.memref_squeeze %gather3A_356 : memref<1x4x8x128xf32, #tpu.memory_space<vmem>> -> memref<4x8x128xf32, #tpu.memory_space<vmem>>
      %gather3A_358 = tpu.vector_load_idx %gather3A_357[%select_n3A, %select_n3A_45, %broadcast_in_dim3A_351] : memref<4x8x128xf32, #tpu.memory_space<vmem>>[vector<16xi32>, vector<16xi32>, vector<16xi32>], vector<16xf32>,
      %add3A_359 = arith.constant 2 : i32
      %add3A_360 = vector.broadcast %add3A_359 : i32 to vector<16xi32>
      %add3A_361 = arith.addi %select_n3A, %add3A_360 : vector<16xi32>
      %gather3A_362 = arith.constant 2 : i32
      %gather3A_363 = arith.constant 0 : i32
      %gather3A_364 = arith.constant 0 : i32
      %gather3A_365 = arith.constant 0 : i32
      %gather3A_366 = tpu.memref_slice %arg6[%gather3A_362, %gather3A_363, %gather3A_364, %gather3A_365] : memref<8x4x8x128xf32, #tpu.memory_space<vmem>> -> memref<1x4x8x128xf32, #tpu.memory_space<vmem>>
      %gather3A_367 = tpu.memref_squeeze %gather3A_366 : memref<1x4x8x128xf32, #tpu.memory_space<vmem>> -> memref<4x8x128xf32, #tpu.memory_space<vmem>>
      %gather3A_368 = tpu.vector_load_idx %gather3A_367[%add3A_361, %select_n3A_45, %broadcast_in_dim3A_351] : memref<4x8x128xf32, #tpu.memory_space<vmem>>[vector<16xi32>, vector<16xi32>, vector<16xi32>], vector<16xf32>,
      %add3A_369 = arith.constant 2 : i32
      %add3A_370 = arith.addi %add3A_54, %add3A_369 : i32
      %swap3A_371 = arith.index_cast %add3A_370 : i32 to index
      %swap3A_372 = arith.constant 0 : index
      %swap3A_373 = tpu.vector_load %arg7[%swap3A_371, %swap3A_372] {strides = array<i32>} : memref<512x32xf32, #tpu.memory_space<vmem>>, vector<16xf32>,
      tpu.vector_store %arg7[%swap3A_371, %swap3A_372], %gather3A_358 {strides = array<i32>} : memref<512x32xf32, #tpu.memory_space<vmem>>, vector<16xf32>,
      %add3A_374 = arith.constant 2 : i32
      %add3A_375 = arith.addi %add3A_54, %add3A_374 : i32
      %swap3A_376 = arith.index_cast %add3A_375 : i32 to index
      %swap3A_377 = arith.constant 16 : index
      %swap3A_378 = tpu.vector_load %arg7[%swap3A_376, %swap3A_377] {strides = array<i32>} : memref<512x32xf32, #tpu.memory_space<vmem>>, vector<16xf32>,
      tpu.vector_store %arg7[%swap3A_376, %swap3A_377], %gather3A_368 {strides = array<i32>} : memref<512x32xf32, #tpu.memory_space<vmem>>, vector<16xf32>,
      %dma_wait3A_379 = arith.constant 3 : i32
      %dma_wait3A_380 = arith.constant 0 : i32
      %dma_wait3A_381 = arith.constant 0 : i32
      %dma_wait3A_382 = arith.constant 0 : i32
      %dma_wait3A_383 = tpu.memref_slice %arg6[%dma_wait3A_379, %dma_wait3A_380, %dma_wait3A_381, %dma_wait3A_382] : memref<8x4x8x128xf32, #tpu.memory_space<vmem>> -> memref<1x4x8x128xf32, #tpu.memory_space<vmem>>
      %dma_wait3A_384 = tpu.memref_squeeze %dma_wait3A_383 : memref<1x4x8x128xf32, #tpu.memory_space<vmem>> -> memref<4x8x128xf32, #tpu.memory_space<vmem>>
      %dma_wait3A_385 = arith.constant 0 : i32
      %dma_wait3A_386 = arith.constant 0 : i32
      %dma_wait3A_387 = tpu.memref_slice %arg2[%dma_wait3A_385, %dma_wait3A_386, %mul3A_126] : memref<4x8x1000000xf32, #tpu.memory_space<hbm>> -> memref<4x8x128xf32, #tpu.memory_space<hbm>>
      %dma_wait3A_388 = arith.constant 0 : i32
      %dma_wait3A_389 = arith.constant 0 : i32
      %dma_wait3A_390 = arith.constant 0 : i32
      %dma_wait3A_391 = tpu.memref_slice %arg6[%dma_wait3A_379, %dma_wait3A_388, %dma_wait3A_389, %dma_wait3A_390] : memref<8x4x8x128xf32, #tpu.memory_space<vmem>> -> memref<1x4x8x128xf32, #tpu.memory_space<vmem>>
      %dma_wait3A_392 = tpu.memref_squeeze %dma_wait3A_391 : memref<1x4x8x128xf32, #tpu.memory_space<vmem>> -> memref<4x8x128xf32, #tpu.memory_space<vmem>>
      %dma_wait3A_393 = arith.constant 0 : i32
      %dma_wait3A_394 = arith.constant 0 : i32
      %dma_wait3A_395 = tpu.memref_slice %arg2[%dma_wait3A_393, %dma_wait3A_394, %mul3A_126] : memref<4x8x1000000xf32, #tpu.memory_space<hbm>> -> memref<4x8x128xf32, #tpu.memory_space<hbm>>
      tpu.wait_dma2 semaphore(%arg8 : memref<!tpu.dma_semaphore, #tpu.memory_space<semaphore_mem>>) src(%dma_wait3A_395 : memref<4x8x128xf32, #tpu.memory_space<hbm>>) dst(%dma_wait3A_392 : memref<4x8x128xf32, #tpu.memory_space<vmem>>)
      %slice3A_396 = vector.extract_strided_slice %get3A_55 {offsets = [3], sizes = [1], strides = [1]} : vector<16xi32> to vector<1xi32>
      %squeeze3A_397 = vector.extract %slice3A_396[0] : i32 from vector<1xi32>
      %and3A_398 = arith.constant 127 : i32
      %and3A_399 = arith.andi %squeeze3A_397, %and3A_398 : i32
      %broadcast_in_dim3A_400 = vector.broadcast %and3A_399 : i32 to vector<16xi32>
      %gather3A_401 = arith.constant 3 : i32
      %gather3A_402 = arith.constant 0 : i32
      %gather3A_403 = arith.constant 0 : i32
      %gather3A_404 = arith.constant 0 : i32
      %gather3A_405 = tpu.memref_slice %arg6[%gather3A_401, %gather3A_402, %gather3A_403, %gather3A_404] : memref<8x4x8x128xf32, #tpu.memory_space<vmem>> -> memref<1x4x8x128xf32, #tpu.memory_space<vmem>>
      %gather3A_406 = tpu.memref_squeeze %gather3A_405 : memref<1x4x8x128xf32, #tpu.memory_space<vmem>> -> memref<4x8x128xf32, #tpu.memory_space<vmem>>
      %gather3A_407 = tpu.vector_load_idx %gather3A_406[%select_n3A, %select_n3A_45, %broadcast_in_dim3A_400] : memref<4x8x128xf32, #tpu.memory_space<vmem>>[vector<16xi32>, vector<16xi32>, vector<16xi32>], vector<16xf32>,
      %add3A_408 = arith.constant 2 : i32
      %add3A_409 = vector.broadcast %add3A_408 : i32 to vector<16xi32>
      %add3A_410 = arith.addi %select_n3A, %add3A_409 : vector<16xi32>
      %gather3A_411 = arith.constant 3 : i32
      %gather3A_412 = arith.constant 0 : i32
      %gather3A_413 = arith.constant 0 : i32
      %gather3A_414 = arith.constant 0 : i32
      %gather3A_415 = tpu.memref_slice %arg6[%gather3A_411, %gather3A_412, %gather3A_413, %gather3A_414] : memref<8x4x8x128xf32, #tpu.memory_space<vmem>> -> memref<1x4x8x128xf32, #tpu.memory_space<vmem>>
      %gather3A_416 = tpu.memref_squeeze %gather3A_415 : memref<1x4x8x128xf32, #tpu.memory_space<vmem>> -> memref<4x8x128xf32, #tpu.memory_space<vmem>>
      %gather3A_417 = tpu.vector_load_idx %gather3A_416[%add3A_410, %select_n3A_45, %broadcast_in_dim3A_400] : memref<4x8x128xf32, #tpu.memory_space<vmem>>[vector<16xi32>, vector<16xi32>, vector<16xi32>], vector<16xf32>,
      %add3A_418 = arith.constant 3 : i32
      %add3A_419 = arith.addi %add3A_54, %add3A_418 : i32
      %swap3A_420 = arith.index_cast %add3A_419 : i32 to index
      %swap3A_421 = arith.constant 0 : index
      %swap3A_422 = tpu.vector_load %arg7[%swap3A_420, %swap3A_421] {strides = array<i32>} : memref<512x32xf32, #tpu.memory_space<vmem>>, vector<16xf32>,
      tpu.vector_store %arg7[%swap3A_420, %swap3A_421], %gather3A_407 {strides = array<i32>} : memref<512x32xf32, #tpu.memory_space<vmem>>, vector<16xf32>,
      %add3A_423 = arith.constant 3 : i32
      %add3A_424 = arith.addi %add3A_54, %add3A_423 : i32
      %swap3A_425 = arith.index_cast %add3A_424 : i32 to index
      %swap3A_426 = arith.constant 16 : index
      %swap3A_427 = tpu.vector_load %arg7[%swap3A_425, %swap3A_426] {strides = array<i32>} : memref<512x32xf32, #tpu.memory_space<vmem>>, vector<16xf32>,
      tpu.vector_store %arg7[%swap3A_425, %swap3A_426], %gather3A_417 {strides = array<i32>} : memref<512x32xf32, #tpu.memory_space<vmem>>, vector<16xf32>,
      %dma_wait3A_428 = arith.constant 4 : i32
      %dma_wait3A_429 = arith.constant 0 : i32
      %dma_wait3A_430 = arith.constant 0 : i32
      %dma_wait3A_431 = arith.constant 0 : i32
      %dma_wait3A_432 = tpu.memref_slice %arg6[%dma_wait3A_428, %dma_wait3A_429, %dma_wait3A_430, %dma_wait3A_431] : memref<8x4x8x128xf32, #tpu.memory_space<vmem>> -> memref<1x4x8x128xf32, #tpu.memory_space<vmem>>
      %dma_wait3A_433 = tpu.memref_squeeze %dma_wait3A_432 : memref<1x4x8x128xf32, #tpu.memory_space<vmem>> -> memref<4x8x128xf32, #tpu.memory_space<vmem>>
      %dma_wait3A_434 = arith.constant 0 : i32
      %dma_wait3A_435 = arith.constant 0 : i32
      %dma_wait3A_436 = tpu.memref_slice %arg2[%dma_wait3A_434, %dma_wait3A_435, %mul3A_149] : memref<4x8x1000000xf32, #tpu.memory_space<hbm>> -> memref<4x8x128xf32, #tpu.memory_space<hbm>>
      %dma_wait3A_437 = arith.constant 0 : i32
      %dma_wait3A_438 = arith.constant 0 : i32
      %dma_wait3A_439 = arith.constant 0 : i32
      %dma_wait3A_440 = tpu.memref_slice %arg6[%dma_wait3A_428, %dma_wait3A_437, %dma_wait3A_438, %dma_wait3A_439] : memref<8x4x8x128xf32, #tpu.memory_space<vmem>> -> memref<1x4x8x128xf32, #tpu.memory_space<vmem>>
      %dma_wait3A_441 = tpu.memref_squeeze %dma_wait3A_440 : memref<1x4x8x128xf32, #tpu.memory_space<vmem>> -> memref<4x8x128xf32, #tpu.memory_space<vmem>>
      %dma_wait3A_442 = arith.constant 0 : i32
      %dma_wait3A_443 = arith.constant 0 : i32
      %dma_wait3A_444 = tpu.memref_slice %arg2[%dma_wait3A_442, %dma_wait3A_443, %mul3A_149] : memref<4x8x1000000xf32, #tpu.memory_space<hbm>> -> memref<4x8x128xf32, #tpu.memory_space<hbm>>
      tpu.wait_dma2 semaphore(%arg8 : memref<!tpu.dma_semaphore, #tpu.memory_space<semaphore_mem>>) src(%dma_wait3A_444 : memref<4x8x128xf32, #tpu.memory_space<hbm>>) dst(%dma_wait3A_441 : memref<4x8x128xf32, #tpu.memory_space<vmem>>)
      %slice3A_445 = vector.extract_strided_slice %get3A_55 {offsets = [4], sizes = [1], strides = [1]} : vector<16xi32> to vector<1xi32>
      %squeeze3A_446 = vector.extract %slice3A_445[0] : i32 from vector<1xi32>
      %and3A_447 = arith.constant 127 : i32
      %and3A_448 = arith.andi %squeeze3A_446, %and3A_447 : i32
      %broadcast_in_dim3A_449 = vector.broadcast %and3A_448 : i32 to vector<16xi32>
      %gather3A_450 = arith.constant 4 : i32
      %gather3A_451 = arith.constant 0 : i32
      %gather3A_452 = arith.constant 0 : i32
      %gather3A_453 = arith.constant 0 : i32
      %gather3A_454 = tpu.memref_slice %arg6[%gather3A_450, %gather3A_451, %gather3A_452, %gather3A_453] : memref<8x4x8x128xf32, #tpu.memory_space<vmem>> -> memref<1x4x8x128xf32, #tpu.memory_space<vmem>>
      %gather3A_455 = tpu.memref_squeeze %gather3A_454 : memref<1x4x8x128xf32, #tpu.memory_space<vmem>> -> memref<4x8x128xf32, #tpu.memory_space<vmem>>
      %gather3A_456 = tpu.vector_load_idx %gather3A_455[%select_n3A, %select_n3A_45, %broadcast_in_dim3A_449] : memref<4x8x128xf32, #tpu.memory_space<vmem>>[vector<16xi32>, vector<16xi32>, vector<16xi32>], vector<16xf32>,
      %add3A_457 = arith.constant 2 : i32
      %add3A_458 = vector.broadcast %add3A_457 : i32 to vector<16xi32>
      %add3A_459 = arith.addi %select_n3A, %add3A_458 : vector<16xi32>
      %gather3A_460 = arith.constant 4 : i32
      %gather3A_461 = arith.constant 0 : i32
      %gather3A_462 = arith.constant 0 : i32
      %gather3A_463 = arith.constant 0 : i32
      %gather3A_464 = tpu.memref_slice %arg6[%gather3A_460, %gather3A_461, %gather3A_462, %gather3A_463] : memref<8x4x8x128xf32, #tpu.memory_space<vmem>> -> memref<1x4x8x128xf32, #tpu.memory_space<vmem>>
      %gather3A_465 = tpu.memref_squeeze %gather3A_464 : memref<1x4x8x128xf32, #tpu.memory_space<vmem>> -> memref<4x8x128xf32, #tpu.memory_space<vmem>>
      %gather3A_466 = tpu.vector_load_idx %gather3A_465[%add3A_459, %select_n3A_45, %broadcast_in_dim3A_449] : memref<4x8x128xf32, #tpu.memory_space<vmem>>[vector<16xi32>, vector<16xi32>, vector<16xi32>], vector<16xf32>,
      %add3A_467 = arith.constant 4 : i32
      %add3A_468 = arith.addi %add3A_54, %add3A_467 : i32
      %swap3A_469 = arith.index_cast %add3A_468 : i32 to index
      %swap3A_470 = arith.constant 0 : index
      %swap3A_471 = tpu.vector_load %arg7[%swap3A_469, %swap3A_470] {strides = array<i32>} : memref<512x32xf32, #tpu.memory_space<vmem>>, vector<16xf32>,
      tpu.vector_store %arg7[%swap3A_469, %swap3A_470], %gather3A_456 {strides = array<i32>} : memref<512x32xf32, #tpu.memory_space<vmem>>, vector<16xf32>,
      %add3A_472 = arith.constant 4 : i32
      %add3A_473 = arith.addi %add3A_54, %add3A_472 : i32
      %swap3A_474 = arith.index_cast %add3A_473 : i32 to index
      %swap3A_475 = arith.constant 16 : index
      %swap3A_476 = tpu.vector_load %arg7[%swap3A_474, %swap3A_475] {strides = array<i32>} : memref<512x32xf32, #tpu.memory_space<vmem>>, vector<16xf32>,
      tpu.vector_store %arg7[%swap3A_474, %swap3A_475], %gather3A_466 {strides = array<i32>} : memref<512x32xf32, #tpu.memory_space<vmem>>, vector<16xf32>,
      %dma_wait3A_477 = arith.constant 5 : i32
      %dma_wait3A_478 = arith.constant 0 : i32
      %dma_wait3A_479 = arith.constant 0 : i32
      %dma_wait3A_480 = arith.constant 0 : i32
      %dma_wait3A_481 = tpu.memref_slice %arg6[%dma_wait3A_477, %dma_wait3A_478, %dma_wait3A_479, %dma_wait3A_480] : memref<8x4x8x128xf32, #tpu.memory_space<vmem>> -> memref<1x4x8x128xf32, #tpu.memory_space<vmem>>
      %dma_wait3A_482 = tpu.memref_squeeze %dma_wait3A_481 : memref<1x4x8x128xf32, #tpu.memory_space<vmem>> -> memref<4x8x128xf32, #tpu.memory_space<vmem>>
      %dma_wait3A_483 = arith.constant 0 : i32
      %dma_wait3A_484 = arith.constant 0 : i32
      %dma_wait3A_485 = tpu.memref_slice %arg2[%dma_wait3A_483, %dma_wait3A_484, %mul3A_172] : memref<4x8x1000000xf32, #tpu.memory_space<hbm>> -> memref<4x8x128xf32, #tpu.memory_space<hbm>>
      %dma_wait3A_486 = arith.constant 0 : i32
      %dma_wait3A_487 = arith.constant 0 : i32
      %dma_wait3A_488 = arith.constant 0 : i32
      %dma_wait3A_489 = tpu.memref_slice %arg6[%dma_wait3A_477, %dma_wait3A_486, %dma_wait3A_487, %dma_wait3A_488] : memref<8x4x8x128xf32, #tpu.memory_space<vmem>> -> memref<1x4x8x128xf32, #tpu.memory_space<vmem>>
      %dma_wait3A_490 = tpu.memref_squeeze %dma_wait3A_489 : memref<1x4x8x128xf32, #tpu.memory_space<vmem>> -> memref<4x8x128xf32, #tpu.memory_space<vmem>>
      %dma_wait3A_491 = arith.constant 0 : i32
      %dma_wait3A_492 = arith.constant 0 : i32
      %dma_wait3A_493 = tpu.memref_slice %arg2[%dma_wait3A_491, %dma_wait3A_492, %mul3A_172] : memref<4x8x1000000xf32, #tpu.memory_space<hbm>> -> memref<4x8x128xf32, #tpu.memory_space<hbm>>
      tpu.wait_dma2 semaphore(%arg8 : memref<!tpu.dma_semaphore, #tpu.memory_space<semaphore_mem>>) src(%dma_wait3A_493 : memref<4x8x128xf32, #tpu.memory_space<hbm>>) dst(%dma_wait3A_490 : memref<4x8x128xf32, #tpu.memory_space<vmem>>)
      %slice3A_494 = vector.extract_strided_slice %get3A_55 {offsets = [5], sizes = [1], strides = [1]} : vector<16xi32> to vector<1xi32>
      %squeeze3A_495 = vector.extract %slice3A_494[0] : i32 from vector<1xi32>
      %and3A_496 = arith.constant 127 : i32
      %and3A_497 = arith.andi %squeeze3A_495, %and3A_496 : i32
      %broadcast_in_dim3A_498 = vector.broadcast %and3A_497 : i32 to vector<16xi32>
      %gather3A_499 = arith.constant 5 : i32
      %gather3A_500 = arith.constant 0 : i32
      %gather3A_501 = arith.constant 0 : i32
      %gather3A_502 = arith.constant 0 : i32
      %gather3A_503 = tpu.memref_slice %arg6[%gather3A_499, %gather3A_500, %gather3A_501, %gather3A_502] : memref<8x4x8x128xf32, #tpu.memory_space<vmem>> -> memref<1x4x8x128xf32, #tpu.memory_space<vmem>>
      %gather3A_504 = tpu.memref_squeeze %gather3A_503 : memref<1x4x8x128xf32, #tpu.memory_space<vmem>> -> memref<4x8x128xf32, #tpu.memory_space<vmem>>
      %gather3A_505 = tpu.vector_load_idx %gather3A_504[%select_n3A, %select_n3A_45, %broadcast_in_dim3A_498] : memref<4x8x128xf32, #tpu.memory_space<vmem>>[vector<16xi32>, vector<16xi32>, vector<16xi32>], vector<16xf32>,
      %add3A_506 = arith.constant 2 : i32
      %add3A_507 = vector.broadcast %add3A_506 : i32 to vector<16xi32>
      %add3A_508 = arith.addi %select_n3A, %add3A_507 : vector<16xi32>
      %gather3A_509 = arith.constant 5 : i32
      %gather3A_510 = arith.constant 0 : i32
      %gather3A_511 = arith.constant 0 : i32
      %gather3A_512 = arith.constant 0 : i32
      %gather3A_513 = tpu.memref_slice %arg6[%gather3A_509, %gather3A_510, %gather3A_511, %gather3A_512] : memref<8x4x8x128xf32, #tpu.memory_space<vmem>> -> memref<1x4x8x128xf32, #tpu.memory_space<vmem>>
      %gather3A_514 = tpu.memref_squeeze %gather3A_513 : memref<1x4x8x128xf32, #tpu.memory_space<vmem>> -> memref<4x8x128xf32, #tpu.memory_space<vmem>>
      %gather3A_515 = tpu.vector_load_idx %gather3A_514[%add3A_508, %select_n3A_45, %broadcast_in_dim3A_498] : memref<4x8x128xf32, #tpu.memory_space<vmem>>[vector<16xi32>, vector<16xi32>, vector<16xi32>], vector<16xf32>,
      %add3A_516 = arith.constant 5 : i32
      %add3A_517 = arith.addi %add3A_54, %add3A_516 : i32
      %swap3A_518 = arith.index_cast %add3A_517 : i32 to index
      %swap3A_519 = arith.constant 0 : index
      %swap3A_520 = tpu.vector_load %arg7[%swap3A_518, %swap3A_519] {strides = array<i32>} : memref<512x32xf32, #tpu.memory_space<vmem>>, vector<16xf32>,
      tpu.vector_store %arg7[%swap3A_518, %swap3A_519], %gather3A_505 {strides = array<i32>} : memref<512x32xf32, #tpu.memory_space<vmem>>, vector<16xf32>,
      %add3A_521 = arith.constant 5 : i32
      %add3A_522 = arith.addi %add3A_54, %add3A_521 : i32
      %swap3A_523 = arith.index_cast %add3A_522 : i32 to index
      %swap3A_524 = arith.constant 16 : index
      %swap3A_525 = tpu.vector_load %arg7[%swap3A_523, %swap3A_524] {strides = array<i32>} : memref<512x32xf32, #tpu.memory_space<vmem>>, vector<16xf32>,
      tpu.vector_store %arg7[%swap3A_523, %swap3A_524], %gather3A_515 {strides = array<i32>} : memref<512x32xf32, #tpu.memory_space<vmem>>, vector<16xf32>,
      %dma_wait3A_526 = arith.constant 6 : i32
      %dma_wait3A_527 = arith.constant 0 : i32
      %dma_wait3A_528 = arith.constant 0 : i32
      %dma_wait3A_529 = arith.constant 0 : i32
      %dma_wait3A_530 = tpu.memref_slice %arg6[%dma_wait3A_526, %dma_wait3A_527, %dma_wait3A_528, %dma_wait3A_529] : memref<8x4x8x128xf32, #tpu.memory_space<vmem>> -> memref<1x4x8x128xf32, #tpu.memory_space<vmem>>
      %dma_wait3A_531 = tpu.memref_squeeze %dma_wait3A_530 : memref<1x4x8x128xf32, #tpu.memory_space<vmem>> -> memref<4x8x128xf32, #tpu.memory_space<vmem>>
      %dma_wait3A_532 = arith.constant 0 : i32
      %dma_wait3A_533 = arith.constant 0 : i32
      %dma_wait3A_534 = tpu.memref_slice %arg2[%dma_wait3A_532, %dma_wait3A_533, %mul3A_195] : memref<4x8x1000000xf32, #tpu.memory_space<hbm>> -> memref<4x8x128xf32, #tpu.memory_space<hbm>>
      %dma_wait3A_535 = arith.constant 0 : i32
      %dma_wait3A_536 = arith.constant 0 : i32
      %dma_wait3A_537 = arith.constant 0 : i32
      %dma_wait3A_538 = tpu.memref_slice %arg6[%dma_wait3A_526, %dma_wait3A_535, %dma_wait3A_536, %dma_wait3A_537] : memref<8x4x8x128xf32, #tpu.memory_space<vmem>> -> memref<1x4x8x128xf32, #tpu.memory_space<vmem>>
      %dma_wait3A_539 = tpu.memref_squeeze %dma_wait3A_538 : memref<1x4x8x128xf32, #tpu.memory_space<vmem>> -> memref<4x8x128xf32, #tpu.memory_space<vmem>>
      %dma_wait3A_540 = arith.constant 0 : i32
      %dma_wait3A_541 = arith.constant 0 : i32
      %dma_wait3A_542 = tpu.memref_slice %arg2[%dma_wait3A_540, %dma_wait3A_541, %mul3A_195] : memref<4x8x1000000xf32, #tpu.memory_space<hbm>> -> memref<4x8x128xf32, #tpu.memory_space<hbm>>
      tpu.wait_dma2 semaphore(%arg8 : memref<!tpu.dma_semaphore, #tpu.memory_space<semaphore_mem>>) src(%dma_wait3A_542 : memref<4x8x128xf32, #tpu.memory_space<hbm>>) dst(%dma_wait3A_539 : memref<4x8x128xf32, #tpu.memory_space<vmem>>)
      %slice3A_543 = vector.extract_strided_slice %get3A_55 {offsets = [6], sizes = [1], strides = [1]} : vector<16xi32> to vector<1xi32>
      %squeeze3A_544 = vector.extract %slice3A_543[0] : i32 from vector<1xi32>
      %and3A_545 = arith.constant 127 : i32
      %and3A_546 = arith.andi %squeeze3A_544, %and3A_545 : i32
      %broadcast_in_dim3A_547 = vector.broadcast %and3A_546 : i32 to vector<16xi32>
      %gather3A_548 = arith.constant 6 : i32
      %gather3A_549 = arith.constant 0 : i32
      %gather3A_550 = arith.constant 0 : i32
      %gather3A_551 = arith.constant 0 : i32
      %gather3A_552 = tpu.memref_slice %arg6[%gather3A_548, %gather3A_549, %gather3A_550, %gather3A_551] : memref<8x4x8x128xf32, #tpu.memory_space<vmem>> -> memref<1x4x8x128xf32, #tpu.memory_space<vmem>>
      %gather3A_553 = tpu.memref_squeeze %gather3A_552 : memref<1x4x8x128xf32, #tpu.memory_space<vmem>> -> memref<4x8x128xf32, #tpu.memory_space<vmem>>
      %gather3A_554 = tpu.vector_load_idx %gather3A_553[%select_n3A, %select_n3A_45, %broadcast_in_dim3A_547] : memref<4x8x128xf32, #tpu.memory_space<vmem>>[vector<16xi32>, vector<16xi32>, vector<16xi32>], vector<16xf32>,
      %add3A_555 = arith.constant 2 : i32
      %add3A_556 = vector.broadcast %add3A_555 : i32 to vector<16xi32>
      %add3A_557 = arith.addi %select_n3A, %add3A_556 : vector<16xi32>
      %gather3A_558 = arith.constant 6 : i32
      %gather3A_559 = arith.constant 0 : i32
      %gather3A_560 = arith.constant 0 : i32
      %gather3A_561 = arith.constant 0 : i32
      %gather3A_562 = tpu.memref_slice %arg6[%gather3A_558, %gather3A_559, %gather3A_560, %gather3A_561] : memref<8x4x8x128xf32, #tpu.memory_space<vmem>> -> memref<1x4x8x128xf32, #tpu.memory_space<vmem>>
      %gather3A_563 = tpu.memref_squeeze %gather3A_562 : memref<1x4x8x128xf32, #tpu.memory_space<vmem>> -> memref<4x8x128xf32, #tpu.memory_space<vmem>>
      %gather3A_564 = tpu.vector_load_idx %gather3A_563[%add3A_557, %select_n3A_45, %broadcast_in_dim3A_547] : memref<4x8x128xf32, #tpu.memory_space<vmem>>[vector<16xi32>, vector<16xi32>, vector<16xi32>], vector<16xf32>,
      %add3A_565 = arith.constant 6 : i32
      %add3A_566 = arith.addi %add3A_54, %add3A_565 : i32
      %swap3A_567 = arith.index_cast %add3A_566 : i32 to index
      %swap3A_568 = arith.constant 0 : index
      %swap3A_569 = tpu.vector_load %arg7[%swap3A_567, %swap3A_568] {strides = array<i32>} : memref<512x32xf32, #tpu.memory_space<vmem>>, vector<16xf32>,
      tpu.vector_store %arg7[%swap3A_567, %swap3A_568], %gather3A_554 {strides = array<i32>} : memref<512x32xf32, #tpu.memory_space<vmem>>, vector<16xf32>,
      %add3A_570 = arith.constant 6 : i32
      %add3A_571 = arith.addi %add3A_54, %add3A_570 : i32
      %swap3A_572 = arith.index_cast %add3A_571 : i32 to index
      %swap3A_573 = arith.constant 16 : index
      %swap3A_574 = tpu.vector_load %arg7[%swap3A_572, %swap3A_573] {strides = array<i32>} : memref<512x32xf32, #tpu.memory_space<vmem>>, vector<16xf32>,
      tpu.vector_store %arg7[%swap3A_572, %swap3A_573], %gather3A_564 {strides = array<i32>} : memref<512x32xf32, #tpu.memory_space<vmem>>, vector<16xf32>,
      %dma_wait3A_575 = arith.constant 7 : i32
      %dma_wait3A_576 = arith.constant 0 : i32
      %dma_wait3A_577 = arith.constant 0 : i32
      %dma_wait3A_578 = arith.constant 0 : i32
      %dma_wait3A_579 = tpu.memref_slice %arg6[%dma_wait3A_575, %dma_wait3A_576, %dma_wait3A_577, %dma_wait3A_578] : memref<8x4x8x128xf32, #tpu.memory_space<vmem>> -> memref<1x4x8x128xf32, #tpu.memory_space<vmem>>
      %dma_wait3A_580 = tpu.memref_squeeze %dma_wait3A_579 : memref<1x4x8x128xf32, #tpu.memory_space<vmem>> -> memref<4x8x128xf32, #tpu.memory_space<vmem>>
      %dma_wait3A_581 = arith.constant 0 : i32
      %dma_wait3A_582 = arith.constant 0 : i32
      %dma_wait3A_583 = tpu.memref_slice %arg2[%dma_wait3A_581, %dma_wait3A_582, %mul3A_218] : memref<4x8x1000000xf32, #tpu.memory_space<hbm>> -> memref<4x8x128xf32, #tpu.memory_space<hbm>>
      %dma_wait3A_584 = arith.constant 0 : i32
      %dma_wait3A_585 = arith.constant 0 : i32
      %dma_wait3A_586 = arith.constant 0 : i32
      %dma_wait3A_587 = tpu.memref_slice %arg6[%dma_wait3A_575, %dma_wait3A_584, %dma_wait3A_585, %dma_wait3A_586] : memref<8x4x8x128xf32, #tpu.memory_space<vmem>> -> memref<1x4x8x128xf32, #tpu.memory_space<vmem>>
      %dma_wait3A_588 = tpu.memref_squeeze %dma_wait3A_587 : memref<1x4x8x128xf32, #tpu.memory_space<vmem>> -> memref<4x8x128xf32, #tpu.memory_space<vmem>>
      %dma_wait3A_589 = arith.constant 0 : i32
      %dma_wait3A_590 = arith.constant 0 : i32
      %dma_wait3A_591 = tpu.memref_slice %arg2[%dma_wait3A_589, %dma_wait3A_590, %mul3A_218] : memref<4x8x1000000xf32, #tpu.memory_space<hbm>> -> memref<4x8x128xf32, #tpu.memory_space<hbm>>
      tpu.wait_dma2 semaphore(%arg8 : memref<!tpu.dma_semaphore, #tpu.memory_space<semaphore_mem>>) src(%dma_wait3A_591 : memref<4x8x128xf32, #tpu.memory_space<hbm>>) dst(%dma_wait3A_588 : memref<4x8x128xf32, #tpu.memory_space<vmem>>)
      %slice3A_592 = vector.extract_strided_slice %get3A_55 {offsets = [7], sizes = [1], strides = [1]} : vector<16xi32> to vector<1xi32>
      %squeeze3A_593 = vector.extract %slice3A_592[0] : i32 from vector<1xi32>
      %and3A_594 = arith.constant 127 : i32
      %and3A_595 = arith.andi %squeeze3A_593, %and3A_594 : i32
      %broadcast_in_dim3A_596 = vector.broadcast %and3A_595 : i32 to vector<16xi32>
      %gather3A_597 = arith.constant 7 : i32
      %gather3A_598 = arith.constant 0 : i32
      %gather3A_599 = arith.constant 0 : i32
      %gather3A_600 = arith.constant 0 : i32
      %gather3A_601 = tpu.memref_slice %arg6[%gather3A_597, %gather3A_598, %gather3A_599, %gather3A_600] : memref<8x4x8x128xf32, #tpu.memory_space<vmem>> -> memref<1x4x8x128xf32, #tpu.memory_space<vmem>>
      %gather3A_602 = tpu.memref_squeeze %gather3A_601 : memref<1x4x8x128xf32, #tpu.memory_space<vmem>> -> memref<4x8x128xf32, #tpu.memory_space<vmem>>
      %gather3A_603 = tpu.vector_load_idx %gather3A_602[%select_n3A, %select_n3A_45, %broadcast_in_dim3A_596] : memref<4x8x128xf32, #tpu.memory_space<vmem>>[vector<16xi32>, vector<16xi32>, vector<16xi32>], vector<16xf32>,
      %add3A_604 = arith.constant 2 : i32
      %add3A_605 = vector.broadcast %add3A_604 : i32 to vector<16xi32>
      %add3A_606 = arith.addi %select_n3A, %add3A_605 : vector<16xi32>
      %gather3A_607 = arith.constant 7 : i32
      %gather3A_608 = arith.constant 0 : i32
      %gather3A_609 = arith.constant 0 : i32
      %gather3A_610 = arith.constant 0 : i32
      %gather3A_611 = tpu.memref_slice %arg6[%gather3A_607, %gather3A_608, %gather3A_609, %gather3A_610] : memref<8x4x8x128xf32, #tpu.memory_space<vmem>> -> memref<1x4x8x128xf32, #tpu.memory_space<vmem>>
      %gather3A_612 = tpu.memref_squeeze %gather3A_611 : memref<1x4x8x128xf32, #tpu.memory_space<vmem>> -> memref<4x8x128xf32, #tpu.memory_space<vmem>>
      %gather3A_613 = tpu.vector_load_idx %gather3A_612[%add3A_606, %select_n3A_45, %broadcast_in_dim3A_596] : memref<4x8x128xf32, #tpu.memory_space<vmem>>[vector<16xi32>, vector<16xi32>, vector<16xi32>], vector<16xf32>,
      %add3A_614 = arith.constant 7 : i32
      %add3A_615 = arith.addi %add3A_54, %add3A_614 : i32
      %swap3A_616 = arith.index_cast %add3A_615 : i32 to index
      %swap3A_617 = arith.constant 0 : index
      %swap3A_618 = tpu.vector_load %arg7[%swap3A_616, %swap3A_617] {strides = array<i32>} : memref<512x32xf32, #tpu.memory_space<vmem>>, vector<16xf32>,
      tpu.vector_store %arg7[%swap3A_616, %swap3A_617], %gather3A_603 {strides = array<i32>} : memref<512x32xf32, #tpu.memory_space<vmem>>, vector<16xf32>,
      %add3A_619 = arith.constant 7 : i32
      %add3A_620 = arith.addi %add3A_54, %add3A_619 : i32
      %swap3A_621 = arith.index_cast %add3A_620 : i32 to index
      %swap3A_622 = arith.constant 16 : index
      %swap3A_623 = tpu.vector_load %arg7[%swap3A_621, %swap3A_622] {strides = array<i32>} : memref<512x32xf32, #tpu.memory_space<vmem>>, vector<16xf32>,
      tpu.vector_store %arg7[%swap3A_621, %swap3A_622], %gather3A_613 {strides = array<i32>} : memref<512x32xf32, #tpu.memory_space<vmem>>, vector<16xf32>,
    }
    %scan3A_49 = arith.constant 64 : i32
    "tpu.region"() ({
      %run_scoped3A = tpu.sem_alloc : memref<!tpu.dma_semaphore, #tpu.memory_space<semaphore_mem>>
      %dma_start3A = arith.constant 0 : i32
      %dma_start3A_50 = tpu.memref_slice %arg4[%mul3A_2, %dma_start3A] : memref<16384x32xf32, #tpu.memory_space<hbm>> -> memref<512x32xf32, #tpu.memory_space<hbm>>
      %dma_start3A_51 = arith.constant 0 : i32
      %dma_start3A_52 = tpu.memref_slice %arg4[%mul3A_2, %dma_start3A_51] : memref<16384x32xf32, #tpu.memory_space<hbm>> -> memref<512x32xf32, #tpu.memory_space<hbm>>
      tpu.enqueue_dma source(%arg7 : memref<512x32xf32, #tpu.memory_space<vmem>>) target(%dma_start3A_52 : memref<512x32xf32, #tpu.memory_space<hbm>>) target_semaphore(%run_scoped3A : memref<!tpu.dma_semaphore, #tpu.memory_space<semaphore_mem>>)
      %dma_wait3A = arith.constant 0 : i32
      %dma_wait3A_53 = tpu.memref_slice %arg4[%mul3A_2, %dma_wait3A] : memref<16384x32xf32, #tpu.memory_space<hbm>> -> memref<512x32xf32, #tpu.memory_space<hbm>>
      %dma_wait3A_54 = arith.constant 0 : i32
      %dma_wait3A_55 = tpu.memref_slice %arg4[%mul3A_2, %dma_wait3A_54] : memref<16384x32xf32, #tpu.memory_space<hbm>> -> memref<512x32xf32, #tpu.memory_space<hbm>>
      tpu.wait_dma2 semaphore(%run_scoped3A : memref<!tpu.dma_semaphore, #tpu.memory_space<semaphore_mem>>) src(%arg7 : memref<512x32xf32, #tpu.memory_space<vmem>>) dst(%dma_wait3A_55 : memref<512x32xf32, #tpu.memory_space<hbm>>)
      tpu.yield
    }) : () -> ()
    return
  }
}

#map = affine_map<(d0, d1) -> (0, 0, 0)>
#map1 = affine_map<(d0, d1) -> (0)>
#map2 = affine_map<(d0, d1) -> (0, 0)>
module attributes {stable_mosaic.version = 14 : i64} {
  func.func @k(%arg0: i32, %arg1: i32, %arg2: memref<4x8x1000000xf32, #tpu.memory_space<hbm>>, %arg3: memref<16384xi32, #tpu.memory_space<hbm>>, %arg4: memref<16384x32xf32, #tpu.memory_space<hbm>>, %arg5: memref<528xi32, #tpu.memory_space<vmem>>, %arg6: memref<8x4x8x128xf32, #tpu.memory_space<vmem>>, %arg7: memref<512x32xf32, #tpu.memory_space<vmem>>, %arg8: memref<!tpu.dma_semaphore, #tpu.memory_space<semaphore_mem>>) attributes {dimension_semantics = [#tpu.dimension_semantics<core_parallel>, #tpu.dimension_semantics<subcore_parallel>], iteration_bounds = array<i64: 2, 16>, scalar_prefetch = 0 : i64, scratch_operands = 4 : i64, tpu.core_type = #tpu.core_type<sc_vector_subcore>, window_params = [{transform_indices = #map}, {transform_indices = #map1}, {transform_indices = #map2}]} {
    %mul3A = arith.constant 2 : i32
    %mul3A_0 = arith.muli %arg1, %mul3A : i32
    %add3A = arith.addi %mul3A_0, %arg0 : i32
    %mul3A_1 = arith.constant 512 : i32
    %mul3A_2 = arith.muli %add3A, %mul3A_1 : i32
    "tpu.region"() ({
      %run_scoped3A = tpu.sem_alloc : memref<!tpu.dma_semaphore, #tpu.memory_space<semaphore_mem>>
      %dma_start3A = arith.constant 0 : i32
      %dma_start3A_50 = tpu.memref_slice %arg5[%dma_start3A] : memref<528xi32, #tpu.memory_space<vmem>> -> memref<512xi32, #tpu.memory_space<vmem>>
      %dma_start3A_51 = tpu.memref_slice %arg3[%mul3A_2] : memref<16384xi32, #tpu.memory_space<hbm>> -> memref<512xi32, #tpu.memory_space<hbm>>
      %dma_start3A_52 = arith.constant 0 : i32
      %dma_start3A_53 = tpu.memref_slice %arg5[%dma_start3A_52] : memref<528xi32, #tpu.memory_space<vmem>> -> memref<512xi32, #tpu.memory_space<vmem>>
      %dma_start3A_54 = tpu.memref_slice %arg3[%mul3A_2] : memref<16384xi32, #tpu.memory_space<hbm>> -> memref<512xi32, #tpu.memory_space<hbm>>
      tpu.enqueue_dma source(%dma_start3A_54 : memref<512xi32, #tpu.memory_space<hbm>>) target(%dma_start3A_53 : memref<512xi32, #tpu.memory_space<vmem>>) target_semaphore(%run_scoped3A : memref<!tpu.dma_semaphore, #tpu.memory_space<semaphore_mem>>)
      %dma_wait3A = arith.constant 0 : i32
      %dma_wait3A_55 = tpu.memref_slice %arg5[%dma_wait3A] : memref<528xi32, #tpu.memory_space<vmem>> -> memref<512xi32, #tpu.memory_space<vmem>>
      %dma_wait3A_56 = tpu.memref_slice %arg3[%mul3A_2] : memref<16384xi32, #tpu.memory_space<hbm>> -> memref<512xi32, #tpu.memory_space<hbm>>
      %dma_wait3A_57 = arith.constant 0 : i32
      %dma_wait3A_58 = tpu.memref_slice %arg5[%dma_wait3A_57] : memref<528xi32, #tpu.memory_space<vmem>> -> memref<512xi32, #tpu.memory_space<vmem>>
      %dma_wait3A_59 = tpu.memref_slice %arg3[%mul3A_2] : memref<16384xi32, #tpu.memory_space<hbm>> -> memref<512xi32, #tpu.memory_space<hbm>>
      tpu.wait_dma2 semaphore(%run_scoped3A : memref<!tpu.dma_semaphore, #tpu.memory_space<semaphore_mem>>) src(%dma_wait3A_59 : memref<512xi32, #tpu.memory_space<hbm>>) dst(%dma_wait3A_58 : memref<512xi32, #tpu.memory_space<vmem>>)
      tpu.yield
    }) : () -> ()
    %iota3A = tpu.iota {dimensions = array<i32: 0>} : vector<16xi32>
    %jit3A = arith.constant 8 : i32
    %div3A = vector.broadcast %jit3A : i32 to vector<16xi32>
    %div3A_3 = arith.divsi %iota3A, %div3A : vector<16xi32>
    %sign3A = arith.constant 0 : i32
    %sign3A_4 = vector.broadcast %sign3A : i32 to vector<16xi32>
    %sign3A_5 = arith.cmpi sgt, %iota3A, %sign3A_4 : vector<16xi32>
    %sign3A_6 = arith.extui %sign3A_5 : vector<16xi1> to vector<16xi32>
    %sign3A_7 = arith.constant 0 : i32
    %sign3A_8 = vector.broadcast %sign3A_7 : i32 to vector<16xi32>
    %sign3A_9 = arith.cmpi slt, %iota3A, %sign3A_8 : vector<16xi32>
    %sign3A_10 = arith.extui %sign3A_9 : vector<16xi1> to vector<16xi32>
    %sign3A_11 = arith.subi %sign3A_6, %sign3A_10 : vector<16xi32>
    %sign3A_12 = arith.constant 0 : i32
    %sign3A_13 = arith.cmpi sgt, %jit3A, %sign3A_12 : i32
    %sign3A_14 = arith.extui %sign3A_13 : i1 to i32
    %sign3A_15 = arith.constant 0 : i32
    %sign3A_16 = arith.cmpi slt, %jit3A, %sign3A_15 : i32
    %sign3A_17 = arith.extui %sign3A_16 : i1 to i32
    %sign3A_18 = arith.subi %sign3A_14, %sign3A_17 : i32
    %ne3A = vector.broadcast %sign3A_18 : i32 to vector<16xi32>
    %ne3A_19 = arith.cmpi ne, %sign3A_11, %ne3A : vector<16xi32>
    %rem3A = vector.broadcast %jit3A : i32 to vector<16xi32>
    %rem3A_20 = arith.remsi %iota3A, %rem3A : vector<16xi32>
    %ne3A_21 = arith.constant 0 : i32
    %ne3A_22 = vector.broadcast %ne3A_21 : i32 to vector<16xi32>
    %ne3A_23 = arith.cmpi ne, %rem3A_20, %ne3A_22 : vector<16xi32>
    %and3A = arith.andi %ne3A_19, %ne3A_23 : vector<16xi1>
    %sub3A = arith.constant 1 : i32
    %sub3A_24 = vector.broadcast %sub3A : i32 to vector<16xi32>
    %sub3A_25 = arith.subi %div3A_3, %sub3A_24 : vector<16xi32>
    %select_n3A = arith.select %and3A, %sub3A_25, %div3A_3 : vector<16xi1>, vector<16xi32>
    %jit3A_26 = arith.constant 8 : i32
    %eq3A = arith.constant 0 : i32
    %eq3A_27 = arith.cmpi eq, %jit3A_26, %eq3A : i32
    %jit3A_28 = arith.constant 1 : i32
    %select_n3A_29 = arith.select %eq3A_27, %jit3A_28, %jit3A_26 : i32
    %rem3A_30 = vector.broadcast %select_n3A_29 : i32 to vector<16xi32>
    %rem3A_31 = arith.remsi %iota3A, %rem3A_30 : vector<16xi32>
    %ne3A_32 = arith.constant 0 : i32
    %ne3A_33 = vector.broadcast %ne3A_32 : i32 to vector<16xi32>
    %ne3A_34 = arith.cmpi ne, %rem3A_31, %ne3A_33 : vector<16xi32>
    %lt3A = arith.constant 0 : i32
    %lt3A_35 = vector.broadcast %lt3A : i32 to vector<16xi32>
    %lt3A_36 = arith.cmpi slt, %rem3A_31, %lt3A_35 : vector<16xi32>
    %lt3A_37 = arith.constant 0 : i32
    %lt3A_38 = arith.cmpi slt, %select_n3A_29, %lt3A_37 : i32
    %ne3A_39 = vector.broadcast %lt3A_38 : i1 to vector<16xi1>
    %ne3A_40 = vector.broadcast %ne3A_39 : vector<16xi1> to vector<16xi1>
    %ne3A_41 = arith.xori %lt3A_36, %ne3A_40 : vector<16xi1>
    %and3A_42 = arith.andi %ne3A_41, %ne3A_34 : vector<16xi1>
    %add3A_43 = vector.broadcast %select_n3A_29 : i32 to vector<16xi32>
    %add3A_44 = arith.addi %rem3A_31, %add3A_43 : vector<16xi32>
    %select_n3A_45 = arith.select %and3A_42, %add3A_44, %rem3A_31 : vector<16xi1>, vector<16xi32>
    %scan3A = arith.constant 0 : i32
    %scan3A_46 = arith.constant 64 : i32
    %scan3A_47 = arith.addi %scan3A, %scan3A_46 : i32
    %scan3A_48 = arith.constant 1 : i32
    scf.for %scan3A_50 = %scan3A to %scan3A_47 step %scan3A_48  : i32 {
      %mul3A_51 = arith.constant 8 : i32
      %mul3A_52 = arith.muli %scan3A_50, %mul3A_51 : i32
      %add3A_53 = arith.constant 0 : i32
      %add3A_54 = arith.addi %add3A_53, %mul3A_52 : i32
      %get3A = arith.index_cast %add3A_54 : i32 to index
      %get3A_55 = tpu.vector_load %arg5[%get3A] {strides = array<i32>} : memref<528xi32, #tpu.memory_space<vmem>>, vector<16xi32>,
      %slice3A = vector.extract_strided_slice %get3A_55 {offsets = [0], sizes = [1], strides = [1]} : vector<16xi32> to vector<1xi32>
      %squeeze3A = vector.extract %slice3A[0] : i32 from vector<1xi32>
      %shift_right_arithmetic3A = arith.constant 7 : i32
      %shift_right_arithmetic3A_56 = arith.shrsi %squeeze3A, %shift_right_arithmetic3A : i32
      %mul3A_57 = arith.constant 128 : i32
      %mul3A_58 = arith.muli %shift_right_arithmetic3A_56, %mul3A_57 : i32
      %dma_start3A = arith.constant 0 : i32
      %dma_start3A_59 = arith.constant 0 : i32
      %dma_start3A_60 = arith.constant 0 : i32
      %dma_start3A_61 = arith.constant 0 : i32
      %dma_start3A_62 = tpu.memref_slice %arg6[%dma_start3A, %dma_start3A_59, %dma_start3A_60, %dma_start3A_61] : memref<8x4x8x128xf32, #tpu.memory_space<vmem>> -> memref<1x4x8x128xf32, #tpu.memory_space<vmem>>
      %dma_start3A_63 = tpu.memref_squeeze %dma_start3A_62 : memref<1x4x8x128xf32, #tpu.memory_space<vmem>> -> memref<4x8x128xf32, #tpu.memory_space<vmem>>
      %dma_start3A_64 = arith.constant 0 : i32
      %dma_start3A_65 = arith.constant 0 : i32
      %dma_start3A_66 = tpu.memref_slice %arg2[%dma_start3A_64, %dma_start3A_65, %mul3A_58] : memref<4x8x1000000xf32, #tpu.memory_space<hbm>> -> memref<4x8x128xf32, #tpu.memory_space<hbm>>
      %dma_start3A_67 = arith.constant 0 : i32
      %dma_start3A_68 = arith.constant 0 : i32
      %dma_start3A_69 = arith.constant 0 : i32
      %dma_start3A_70 = tpu.memref_slice %arg6[%dma_start3A, %dma_start3A_67, %dma_start3A_68, %dma_start3A_69] : memref<8x4x8x128xf32, #tpu.memory_space<vmem>> -> memref<1x4x8x128xf32, #tpu.memory_space<vmem>>
      %dma_start3A_71 = tpu.memref_squeeze %dma_start3A_70 : memref<1x4x8x128xf32, #tpu.memory_space<vmem>> -> memref<4x8x128xf32, #tpu.memory_space<vmem>>
      %dma_start3A_72 = arith.constant 0 : i32
      %dma_start3A_73 = arith.constant 0 : i32
      %dma_start3A_74 = tpu.memref_slice %arg2[%dma_start3A_72, %dma_start3A_73, %mul3A_58] : memref<4x8x1000000xf32, #tpu.memory_space<hbm>> -> memref<4x8x128xf32, #tpu.memory_space<hbm>>
      tpu.enqueue_dma source(%dma_start3A_74 : memref<4x8x128xf32, #tpu.memory_space<hbm>>) target(%dma_start3A_71 : memref<4x8x128xf32, #tpu.memory_space<vmem>>) target_semaphore(%arg8 : memref<!tpu.dma_semaphore, #tpu.memory_space<semaphore_mem>>)
      %slice3A_75 = vector.extract_strided_slice %get3A_55 {offsets = [1], sizes = [1], strides = [1]} : vector<16xi32> to vector<1xi32>
      %squeeze3A_76 = vector.extract %slice3A_75[0] : i32 from vector<1xi32>
      %shift_right_arithmetic3A_77 = arith.constant 7 : i32
      %shift_right_arithmetic3A_78 = arith.shrsi %squeeze3A_76, %shift_right_arithmetic3A_77 : i32
      %mul3A_79 = arith.constant 128 : i32
      %mul3A_80 = arith.muli %shift_right_arithmetic3A_78, %mul3A_79 : i32
      %dma_start3A_81 = arith.constant 1 : i32
      %dma_start3A_82 = arith.constant 0 : i32
      %dma_start3A_83 = arith.constant 0 : i32
      %dma_start3A_84 = arith.constant 0 : i32
      %dma_start3A_85 = tpu.memref_slice %arg6[%dma_start3A_81, %dma_start3A_82, %dma_start3A_83, %dma_start3A_84] : memref<8x4x8x128xf32, #tpu.memory_space<vmem>> -> memref<1x4x8x128xf32, #tpu.memory_space<vmem>>
      %dma_start3A_86 = tpu.memref_squeeze %dma_start3A_85 : memref<1x4x8x128xf32, #tpu.memory_space<vmem>> -> memref<4x8x128xf32, #tpu.memory_space<vmem>>
      %dma_start3A_87 = arith.constant 0 : i32
      %dma_start3A_88 = arith.constant 0 : i32
      %dma_start3A_89 = tpu.memref_slice %arg2[%dma_start3A_87, %dma_start3A_88, %mul3A_80] : memref<4x8x1000000xf32, #tpu.memory_space<hbm>> -> memref<4x8x128xf32, #tpu.memory_space<hbm>>
      %dma_start3A_90 = arith.constant 0 : i32
      %dma_start3A_91 = arith.constant 0 : i32
      %dma_start3A_92 = arith.constant 0 : i32
      %dma_start3A_93 = tpu.memref_slice %arg6[%dma_start3A_81, %dma_start3A_90, %dma_start3A_91, %dma_start3A_92] : memref<8x4x8x128xf32, #tpu.memory_space<vmem>> -> memref<1x4x8x128xf32, #tpu.memory_space<vmem>>
      %dma_start3A_94 = tpu.memref_squeeze %dma_start3A_93 : memref<1x4x8x128xf32, #tpu.memory_space<vmem>> -> memref<4x8x128xf32, #tpu.memory_space<vmem>>
      %dma_start3A_95 = arith.constant 0 : i32
      %dma_start3A_96 = arith.constant 0 : i32
      %dma_start3A_97 = tpu.memref_slice %arg2[%dma_start3A_95, %dma_start3A_96, %mul3A_80] : memref<4x8x1000000xf32, #tpu.memory_space<hbm>> -> memref<4x8x128xf32, #tpu.memory_space<hbm>>
      tpu.enqueue_dma source(%dma_start3A_97 : memref<4x8x128xf32, #tpu.memory_space<hbm>>) target(%dma_start3A_94 : memref<4x8x128xf32, #tpu.memory_space<vmem>>) target_semaphore(%arg8 : memref<!tpu.dma_semaphore, #tpu.memory_space<semaphore_mem>>)
      %slice3A_98 = vector.extract_strided_slice %get3A_55 {offsets = [2], sizes = [1], strides = [1]} : vector<16xi32> to vector<1xi32>
      %squeeze3A_99 = vector.extract %slice3A_98[0] : i32 from vector<1xi32>
      %shift_right_arithmetic3A_100 = arith.constant 7 : i32
      %shift_right_arithmetic3A_101 = arith.shrsi %squeeze3A_99, %shift_right_arithmetic3A_100 : i32
      %mul3A_102 = arith.constant 128 : i32
      %mul3A_103 = arith.muli %shift_right_arithmetic3A_101, %mul3A_102 : i32
      %dma_start3A_104 = arith.constant 2 : i32
      %dma_start3A_105 = arith.constant 0 : i32
      %dma_start3A_106 = arith.constant 0 : i32
      %dma_start3A_107 = arith.constant 0 : i32
      %dma_start3A_108 = tpu.memref_slice %arg6[%dma_start3A_104, %dma_start3A_105, %dma_start3A_106, %dma_start3A_107] : memref<8x4x8x128xf32, #tpu.memory_space<vmem>> -> memref<1x4x8x128xf32, #tpu.memory_space<vmem>>
      %dma_start3A_109 = tpu.memref_squeeze %dma_start3A_108 : memref<1x4x8x128xf32, #tpu.memory_space<vmem>> -> memref<4x8x128xf32, #tpu.memory_space<vmem>>
      %dma_start3A_110 = arith.constant 0 : i32
      %dma_start3A_111 = arith.constant 0 : i32
      %dma_start3A_112 = tpu.memref_slice %arg2[%dma_start3A_110, %dma_start3A_111, %mul3A_103] : memref<4x8x1000000xf32, #tpu.memory_space<hbm>> -> memref<4x8x128xf32, #tpu.memory_space<hbm>>
      %dma_start3A_113 = arith.constant 0 : i32
      %dma_start3A_114 = arith.constant 0 : i32
      %dma_start3A_115 = arith.constant 0 : i32
      %dma_start3A_116 = tpu.memref_slice %arg6[%dma_start3A_104, %dma_start3A_113, %dma_start3A_114, %dma_start3A_115] : memref<8x4x8x128xf32, #tpu.memory_space<vmem>> -> memref<1x4x8x128xf32, #tpu.memory_space<vmem>>
      %dma_start3A_117 = tpu.memref_squeeze %dma_start3A_116 : memref<1x4x8x128xf32, #tpu.memory_space<vmem>> -> memref<4x8x128xf32, #tpu.memory_space<vmem>>
      %dma_start3A_118 = arith.constant 0 : i32
      %dma_start3A_119 = arith.constant 0 : i32
      %dma_start3A_120 = tpu.memref_slice %arg2[%dma_start3A_118, %dma_start3A_119, %mul3A_103] : memref<4x8x1000000xf32, #tpu.memory_space<hbm>> -> memref<4x8x128xf32, #tpu.memory_space<hbm>>
      tpu.enqueue_dma source(%dma_start3A_120 : memref<4x8x128xf32, #tpu.memory_space<hbm>>) target(%dma_start3A_117 : memref<4x8x128xf32, #tpu.memory_space<vmem>>) target_semaphore(%arg8 : memref<!tpu.dma_semaphore, #tpu.memory_space<semaphore_mem>>)
      %slice3A_121 = vector.extract_strided_slice %get3A_55 {offsets = [3], sizes = [1], strides = [1]} : vector<16xi32> to vector<1xi32>
      %squeeze3A_122 = vector.extract %slice3A_121[0] : i32 from vector<1xi32>
      %shift_right_arithmetic3A_123 = arith.constant 7 : i32
      %shift_right_arithmetic3A_124 = arith.shrsi %squeeze3A_122, %shift_right_arithmetic3A_123 : i32
      %mul3A_125 = arith.constant 128 : i32
      %mul3A_126 = arith.muli %shift_right_arithmetic3A_124, %mul3A_125 : i32
      %dma_start3A_127 = arith.constant 3 : i32
      %dma_start3A_128 = arith.constant 0 : i32
      %dma_start3A_129 = arith.constant 0 : i32
      %dma_start3A_130 = arith.constant 0 : i32
      %dma_start3A_131 = tpu.memref_slice %arg6[%dma_start3A_127, %dma_start3A_128, %dma_start3A_129, %dma_start3A_130] : memref<8x4x8x128xf32, #tpu.memory_space<vmem>> -> memref<1x4x8x128xf32, #tpu.memory_space<vmem>>
      %dma_start3A_132 = tpu.memref_squeeze %dma_start3A_131 : memref<1x4x8x128xf32, #tpu.memory_space<vmem>> -> memref<4x8x128xf32, #tpu.memory_space<vmem>>
      %dma_start3A_133 = arith.constant 0 : i32
      %dma_start3A_134 = arith.constant 0 : i32
      %dma_start3A_135 = tpu.memref_slice %arg2[%dma_start3A_133, %dma_start3A_134, %mul3A_126] : memref<4x8x1000000xf32, #tpu.memory_space<hbm>> -> memref<4x8x128xf32, #tpu.memory_space<hbm>>
      %dma_start3A_136 = arith.constant 0 : i32
      %dma_start3A_137 = arith.constant 0 : i32
      %dma_start3A_138 = arith.constant 0 : i32
      %dma_start3A_139 = tpu.memref_slice %arg6[%dma_start3A_127, %dma_start3A_136, %dma_start3A_137, %dma_start3A_138] : memref<8x4x8x128xf32, #tpu.memory_space<vmem>> -> memref<1x4x8x128xf32, #tpu.memory_space<vmem>>
      %dma_start3A_140 = tpu.memref_squeeze %dma_start3A_139 : memref<1x4x8x128xf32, #tpu.memory_space<vmem>> -> memref<4x8x128xf32, #tpu.memory_space<vmem>>
      %dma_start3A_141 = arith.constant 0 : i32
      %dma_start3A_142 = arith.constant 0 : i32
      %dma_start3A_143 = tpu.memref_slice %arg2[%dma_start3A_141, %dma_start3A_142, %mul3A_126] : memref<4x8x1000000xf32, #tpu.memory_space<hbm>> -> memref<4x8x128xf32, #tpu.memory_space<hbm>>
      tpu.enqueue_dma source(%dma_start3A_143 : memref<4x8x128xf32, #tpu.memory_space<hbm>>) target(%dma_start3A_140 : memref<4x8x128xf32, #tpu.memory_space<vmem>>) target_semaphore(%arg8 : memref<!tpu.dma_semaphore, #tpu.memory_space<semaphore_mem>>)
      %slice3A_144 = vector.extract_strided_slice %get3A_55 {offsets = [4], sizes = [1], strides = [1]} : vector<16xi32> to vector<1xi32>
      %squeeze3A_145 = vector.extract %slice3A_144[0] : i32 from vector<1xi32>
      %shift_right_arithmetic3A_146 = arith.constant 7 : i32
      %shift_right_arithmetic3A_147 = arith.shrsi %squeeze3A_145, %shift_right_arithmetic3A_146 : i32
      %mul3A_148 = arith.constant 128 : i32
      %mul3A_149 = arith.muli %shift_right_arithmetic3A_147, %mul3A_148 : i32
      %dma_start3A_150 = arith.constant 4 : i32
      %dma_start3A_151 = arith.constant 0 : i32
      %dma_start3A_152 = arith.constant 0 : i32
      %dma_start3A_153 = arith.constant 0 : i32
      %dma_start3A_154 = tpu.memref_slice %arg6[%dma_start3A_150, %dma_start3A_151, %dma_start3A_152, %dma_start3A_153] : memref<8x4x8x128xf32, #tpu.memory_space<vmem>> -> memref<1x4x8x128xf32, #tpu.memory_space<vmem>>
      %dma_start3A_155 = tpu.memref_squeeze %dma_start3A_154 : memref<1x4x8x128xf32, #tpu.memory_space<vmem>> -> memref<4x8x128xf32, #tpu.memory_space<vmem>>
      %dma_start3A_156 = arith.constant 0 : i32
      %dma_start3A_157 = arith.constant 0 : i32
      %dma_start3A_158 = tpu.memref_slice %arg2[%dma_start3A_156, %dma_start3A_157, %mul3A_149] : memref<4x8x1000000xf32, #tpu.memory_space<hbm>> -> memref<4x8x128xf32, #tpu.memory_space<hbm>>
      %dma_start3A_159 = arith.constant 0 : i32
      %dma_start3A_160 = arith.constant 0 : i32
      %dma_start3A_161 = arith.constant 0 : i32
      %dma_start3A_162 = tpu.memref_slice %arg6[%dma_start3A_150, %dma_start3A_159, %dma_start3A_160, %dma_start3A_161] : memref<8x4x8x128xf32, #tpu.memory_space<vmem>> -> memref<1x4x8x128xf32, #tpu.memory_space<vmem>>
      %dma_start3A_163 = tpu.memref_squeeze %dma_start3A_162 : memref<1x4x8x128xf32, #tpu.memory_space<vmem>> -> memref<4x8x128xf32, #tpu.memory_space<vmem>>
      %dma_start3A_164 = arith.constant 0 : i32
      %dma_start3A_165 = arith.constant 0 : i32
      %dma_start3A_166 = tpu.memref_slice %arg2[%dma_start3A_164, %dma_start3A_165, %mul3A_149] : memref<4x8x1000000xf32, #tpu.memory_space<hbm>> -> memref<4x8x128xf32, #tpu.memory_space<hbm>>
      tpu.enqueue_dma source(%dma_start3A_166 : memref<4x8x128xf32, #tpu.memory_space<hbm>>) target(%dma_start3A_163 : memref<4x8x128xf32, #tpu.memory_space<vmem>>) target_semaphore(%arg8 : memref<!tpu.dma_semaphore, #tpu.memory_space<semaphore_mem>>)
      %slice3A_167 = vector.extract_strided_slice %get3A_55 {offsets = [5], sizes = [1], strides = [1]} : vector<16xi32> to vector<1xi32>
      %squeeze3A_168 = vector.extract %slice3A_167[0] : i32 from vector<1xi32>
      %shift_right_arithmetic3A_169 = arith.constant 7 : i32
      %shift_right_arithmetic3A_170 = arith.shrsi %squeeze3A_168, %shift_right_arithmetic3A_169 : i32
      %mul3A_171 = arith.constant 128 : i32
      %mul3A_172 = arith.muli %shift_right_arithmetic3A_170, %mul3A_171 : i32
      %dma_start3A_173 = arith.constant 5 : i32
      %dma_start3A_174 = arith.constant 0 : i32
      %dma_start3A_175 = arith.constant 0 : i32
      %dma_start3A_176 = arith.constant 0 : i32
      %dma_start3A_177 = tpu.memref_slice %arg6[%dma_start3A_173, %dma_start3A_174, %dma_start3A_175, %dma_start3A_176] : memref<8x4x8x128xf32, #tpu.memory_space<vmem>> -> memref<1x4x8x128xf32, #tpu.memory_space<vmem>>
      %dma_start3A_178 = tpu.memref_squeeze %dma_start3A_177 : memref<1x4x8x128xf32, #tpu.memory_space<vmem>> -> memref<4x8x128xf32, #tpu.memory_space<vmem>>
      %dma_start3A_179 = arith.constant 0 : i32
      %dma_start3A_180 = arith.constant 0 : i32
      %dma_start3A_181 = tpu.memref_slice %arg2[%dma_start3A_179, %dma_start3A_180, %mul3A_172] : memref<4x8x1000000xf32, #tpu.memory_space<hbm>> -> memref<4x8x128xf32, #tpu.memory_space<hbm>>
      %dma_start3A_182 = arith.constant 0 : i32
      %dma_start3A_183 = arith.constant 0 : i32
      %dma_start3A_184 = arith.constant 0 : i32
      %dma_start3A_185 = tpu.memref_slice %arg6[%dma_start3A_173, %dma_start3A_182, %dma_start3A_183, %dma_start3A_184] : memref<8x4x8x128xf32, #tpu.memory_space<vmem>> -> memref<1x4x8x128xf32, #tpu.memory_space<vmem>>
      %dma_start3A_186 = tpu.memref_squeeze %dma_start3A_185 : memref<1x4x8x128xf32, #tpu.memory_space<vmem>> -> memref<4x8x128xf32, #tpu.memory_space<vmem>>
      %dma_start3A_187 = arith.constant 0 : i32
      %dma_start3A_188 = arith.constant 0 : i32
      %dma_start3A_189 = tpu.memref_slice %arg2[%dma_start3A_187, %dma_start3A_188, %mul3A_172] : memref<4x8x1000000xf32, #tpu.memory_space<hbm>> -> memref<4x8x128xf32, #tpu.memory_space<hbm>>
      tpu.enqueue_dma source(%dma_start3A_189 : memref<4x8x128xf32, #tpu.memory_space<hbm>>) target(%dma_start3A_186 : memref<4x8x128xf32, #tpu.memory_space<vmem>>) target_semaphore(%arg8 : memref<!tpu.dma_semaphore, #tpu.memory_space<semaphore_mem>>)
      %slice3A_190 = vector.extract_strided_slice %get3A_55 {offsets = [6], sizes = [1], strides = [1]} : vector<16xi32> to vector<1xi32>
      %squeeze3A_191 = vector.extract %slice3A_190[0] : i32 from vector<1xi32>
      %shift_right_arithmetic3A_192 = arith.constant 7 : i32
      %shift_right_arithmetic3A_193 = arith.shrsi %squeeze3A_191, %shift_right_arithmetic3A_192 : i32
      %mul3A_194 = arith.constant 128 : i32
      %mul3A_195 = arith.muli %shift_right_arithmetic3A_193, %mul3A_194 : i32
      %dma_start3A_196 = arith.constant 6 : i32
      %dma_start3A_197 = arith.constant 0 : i32
      %dma_start3A_198 = arith.constant 0 : i32
      %dma_start3A_199 = arith.constant 0 : i32
      %dma_start3A_200 = tpu.memref_slice %arg6[%dma_start3A_196, %dma_start3A_197, %dma_start3A_198, %dma_start3A_199] : memref<8x4x8x128xf32, #tpu.memory_space<vmem>> -> memref<1x4x8x128xf32, #tpu.memory_space<vmem>>
      %dma_start3A_201 = tpu.memref_squeeze %dma_start3A_200 : memref<1x4x8x128xf32, #tpu.memory_space<vmem>> -> memref<4x8x128xf32, #tpu.memory_space<vmem>>
      %dma_start3A_202 = arith.constant 0 : i32
      %dma_start3A_203 = arith.constant 0 : i32
      %dma_start3A_204 = tpu.memref_slice %arg2[%dma_start3A_202, %dma_start3A_203, %mul3A_195] : memref<4x8x1000000xf32, #tpu.memory_space<hbm>> -> memref<4x8x128xf32, #tpu.memory_space<hbm>>
      %dma_start3A_205 = arith.constant 0 : i32
      %dma_start3A_206 = arith.constant 0 : i32
      %dma_start3A_207 = arith.constant 0 : i32
      %dma_start3A_208 = tpu.memref_slice %arg6[%dma_start3A_196, %dma_start3A_205, %dma_start3A_206, %dma_start3A_207] : memref<8x4x8x128xf32, #tpu.memory_space<vmem>> -> memref<1x4x8x128xf32, #tpu.memory_space<vmem>>
      %dma_start3A_209 = tpu.memref_squeeze %dma_start3A_208 : memref<1x4x8x128xf32, #tpu.memory_space<vmem>> -> memref<4x8x128xf32, #tpu.memory_space<vmem>>
      %dma_start3A_210 = arith.constant 0 : i32
      %dma_start3A_211 = arith.constant 0 : i32
      %dma_start3A_212 = tpu.memref_slice %arg2[%dma_start3A_210, %dma_start3A_211, %mul3A_195] : memref<4x8x1000000xf32, #tpu.memory_space<hbm>> -> memref<4x8x128xf32, #tpu.memory_space<hbm>>
      tpu.enqueue_dma source(%dma_start3A_212 : memref<4x8x128xf32, #tpu.memory_space<hbm>>) target(%dma_start3A_209 : memref<4x8x128xf32, #tpu.memory_space<vmem>>) target_semaphore(%arg8 : memref<!tpu.dma_semaphore, #tpu.memory_space<semaphore_mem>>)
      %slice3A_213 = vector.extract_strided_slice %get3A_55 {offsets = [7], sizes = [1], strides = [1]} : vector<16xi32> to vector<1xi32>
      %squeeze3A_214 = vector.extract %slice3A_213[0] : i32 from vector<1xi32>
      %shift_right_arithmetic3A_215 = arith.constant 7 : i32
      %shift_right_arithmetic3A_216 = arith.shrsi %squeeze3A_214, %shift_right_arithmetic3A_215 : i32
      %mul3A_217 = arith.constant 128 : i32
      %mul3A_218 = arith.muli %shift_right_arithmetic3A_216, %mul3A_217 : i32
      %dma_start3A_219 = arith.constant 7 : i32
      %dma_start3A_220 = arith.constant 0 : i32
      %dma_start3A_221 = arith.constant 0 : i32
      %dma_start3A_222 = arith.constant 0 : i32
      %dma_start3A_223 = tpu.memref_slice %arg6[%dma_start3A_219, %dma_start3A_220, %dma_start3A_221, %dma_start3A_222] : memref<8x4x8x128xf32, #tpu.memory_space<vmem>> -> memref<1x4x8x128xf32, #tpu.memory_space<vmem>>
      %dma_start3A_224 = tpu.memref_squeeze %dma_start3A_223 : memref<1x4x8x128xf32, #tpu.memory_space<vmem>> -> memref<4x8x128xf32, #tpu.memory_space<vmem>>
      %dma_start3A_225 = arith.constant 0 : i32
      %dma_start3A_226 = arith.constant 0 : i32
      %dma_start3A_227 = tpu.memref_slice %arg2[%dma_start3A_225, %dma_start3A_226, %mul3A_218] : memref<4x8x1000000xf32, #tpu.memory_space<hbm>> -> memref<4x8x128xf32, #tpu.memory_space<hbm>>
      %dma_start3A_228 = arith.constant 0 : i32
      %dma_start3A_229 = arith.constant 0 : i32
      %dma_start3A_230 = arith.constant 0 : i32
      %dma_start3A_231 = tpu.memref_slice %arg6[%dma_start3A_219, %dma_start3A_228, %dma_start3A_229, %dma_start3A_230] : memref<8x4x8x128xf32, #tpu.memory_space<vmem>> -> memref<1x4x8x128xf32, #tpu.memory_space<vmem>>
      %dma_start3A_232 = tpu.memref_squeeze %dma_start3A_231 : memref<1x4x8x128xf32, #tpu.memory_space<vmem>> -> memref<4x8x128xf32, #tpu.memory_space<vmem>>
      %dma_start3A_233 = arith.constant 0 : i32
      %dma_start3A_234 = arith.constant 0 : i32
      %dma_start3A_235 = tpu.memref_slice %arg2[%dma_start3A_233, %dma_start3A_234, %mul3A_218] : memref<4x8x1000000xf32, #tpu.memory_space<hbm>> -> memref<4x8x128xf32, #tpu.memory_space<hbm>>
      tpu.enqueue_dma source(%dma_start3A_235 : memref<4x8x128xf32, #tpu.memory_space<hbm>>) target(%dma_start3A_232 : memref<4x8x128xf32, #tpu.memory_space<vmem>>) target_semaphore(%arg8 : memref<!tpu.dma_semaphore, #tpu.memory_space<semaphore_mem>>)
      %dma_wait3A = arith.constant 0 : i32
      %dma_wait3A_236 = arith.constant 0 : i32
      %dma_wait3A_237 = arith.constant 0 : i32
      %dma_wait3A_238 = arith.constant 0 : i32
      %dma_wait3A_239 = tpu.memref_slice %arg6[%dma_wait3A, %dma_wait3A_236, %dma_wait3A_237, %dma_wait3A_238] : memref<8x4x8x128xf32, #tpu.memory_space<vmem>> -> memref<1x4x8x128xf32, #tpu.memory_space<vmem>>
      %dma_wait3A_240 = tpu.memref_squeeze %dma_wait3A_239 : memref<1x4x8x128xf32, #tpu.memory_space<vmem>> -> memref<4x8x128xf32, #tpu.memory_space<vmem>>
      %dma_wait3A_241 = arith.constant 0 : i32
      %dma_wait3A_242 = arith.constant 0 : i32
      %dma_wait3A_243 = tpu.memref_slice %arg2[%dma_wait3A_241, %dma_wait3A_242, %mul3A_58] : memref<4x8x1000000xf32, #tpu.memory_space<hbm>> -> memref<4x8x128xf32, #tpu.memory_space<hbm>>
      %dma_wait3A_244 = arith.constant 0 : i32
      %dma_wait3A_245 = arith.constant 0 : i32
      %dma_wait3A_246 = arith.constant 0 : i32
      %dma_wait3A_247 = tpu.memref_slice %arg6[%dma_wait3A, %dma_wait3A_244, %dma_wait3A_245, %dma_wait3A_246] : memref<8x4x8x128xf32, #tpu.memory_space<vmem>> -> memref<1x4x8x128xf32, #tpu.memory_space<vmem>>
      %dma_wait3A_248 = tpu.memref_squeeze %dma_wait3A_247 : memref<1x4x8x128xf32, #tpu.memory_space<vmem>> -> memref<4x8x128xf32, #tpu.memory_space<vmem>>
      %dma_wait3A_249 = arith.constant 0 : i32
      %dma_wait3A_250 = arith.constant 0 : i32
      %dma_wait3A_251 = tpu.memref_slice %arg2[%dma_wait3A_249, %dma_wait3A_250, %mul3A_58] : memref<4x8x1000000xf32, #tpu.memory_space<hbm>> -> memref<4x8x128xf32, #tpu.memory_space<hbm>>
      tpu.wait_dma2 semaphore(%arg8 : memref<!tpu.dma_semaphore, #tpu.memory_space<semaphore_mem>>) src(%dma_wait3A_251 : memref<4x8x128xf32, #tpu.memory_space<hbm>>) dst(%dma_wait3A_248 : memref<4x8x128xf32, #tpu.memory_space<vmem>>)
      %slice3A_252 = vector.extract_strided_slice %get3A_55 {offsets = [0], sizes = [1], strides = [1]} : vector<16xi32> to vector<1xi32>
      %squeeze3A_253 = vector.extract %slice3A_252[0] : i32 from vector<1xi32>
      %and3A_254 = arith.constant 127 : i32
      %and3A_255 = arith.andi %squeeze3A_253, %and3A_254 : i32
      %broadcast_in_dim3A = vector.broadcast %and3A_255 : i32 to vector<16xi32>
      %gather3A = arith.constant 0 : i32
      %gather3A_256 = arith.constant 0 : i32
      %gather3A_257 = arith.constant 0 : i32
      %gather3A_258 = arith.constant 0 : i32
      %gather3A_259 = tpu.memref_slice %arg6[%gather3A, %gather3A_256, %gather3A_257, %gather3A_258] : memref<8x4x8x128xf32, #tpu.memory_space<vmem>> -> memref<1x4x8x128xf32, #tpu.memory_space<vmem>>
      %gather3A_260 = tpu.memref_squeeze %gather3A_259 : memref<1x4x8x128xf32, #tpu.memory_space<vmem>> -> memref<4x8x128xf32, #tpu.memory_space<vmem>>
      %gather3A_261 = tpu.vector_load_idx %gather3A_260[%select_n3A, %select_n3A_45, %broadcast_in_dim3A] : memref<4x8x128xf32, #tpu.memory_space<vmem>>[vector<16xi32>, vector<16xi32>, vector<16xi32>], vector<16xf32>,
      %add3A_262 = arith.constant 2 : i32
      %add3A_263 = vector.broadcast %add3A_262 : i32 to vector<16xi32>
      %add3A_264 = arith.addi %select_n3A, %add3A_263 : vector<16xi32>
      %gather3A_265 = arith.constant 0 : i32
      %gather3A_266 = arith.constant 0 : i32
      %gather3A_267 = arith.constant 0 : i32
      %gather3A_268 = arith.constant 0 : i32
      %gather3A_269 = tpu.memref_slice %arg6[%gather3A_265, %gather3A_266, %gather3A_267, %gather3A_268] : memref<8x4x8x128xf32, #tpu.memory_space<vmem>> -> memref<1x4x8x128xf32, #tpu.memory_space<vmem>>
      %gather3A_270 = tpu.memref_squeeze %gather3A_269 : memref<1x4x8x128xf32, #tpu.memory_space<vmem>> -> memref<4x8x128xf32, #tpu.memory_space<vmem>>
      %gather3A_271 = tpu.vector_load_idx %gather3A_270[%add3A_264, %select_n3A_45, %broadcast_in_dim3A] : memref<4x8x128xf32, #tpu.memory_space<vmem>>[vector<16xi32>, vector<16xi32>, vector<16xi32>], vector<16xf32>,
      %add3A_272 = arith.constant 0 : i32
      %add3A_273 = arith.addi %add3A_54, %add3A_272 : i32
      %swap3A = arith.index_cast %add3A_273 : i32 to index
      %swap3A_274 = arith.constant 0 : index
      %swap3A_275 = tpu.vector_load %arg7[%swap3A, %swap3A_274] {strides = array<i32>} : memref<512x32xf32, #tpu.memory_space<vmem>>, vector<16xf32>,
      tpu.vector_store %arg7[%swap3A, %swap3A_274], %gather3A_261 {strides = array<i32>} : memref<512x32xf32, #tpu.memory_space<vmem>>, vector<16xf32>,
      %add3A_276 = arith.constant 0 : i32
      %add3A_277 = arith.addi %add3A_54, %add3A_276 : i32
      %swap3A_278 = arith.index_cast %add3A_277 : i32 to index
      %swap3A_279 = arith.constant 16 : index
      %swap3A_280 = tpu.vector_load %arg7[%swap3A_278, %swap3A_279] {strides = array<i32>} : memref<512x32xf32, #tpu.memory_space<vmem>>, vector<16xf32>,
      tpu.vector_store %arg7[%swap3A_278, %swap3A_279], %gather3A_271 {strides = array<i32>} : memref<512x32xf32, #tpu.memory_space<vmem>>, vector<16xf32>,
      %dma_wait3A_281 = arith.constant 1 : i32
      %dma_wait3A_282 = arith.constant 0 : i32
      %dma_wait3A_283 = arith.constant 0 : i32
      %dma_wait3A_284 = arith.constant 0 : i32
      %dma_wait3A_285 = tpu.memref_slice %arg6[%dma_wait3A_281, %dma_wait3A_282, %dma_wait3A_283, %dma_wait3A_284] : memref<8x4x8x128xf32, #tpu.memory_space<vmem>> -> memref<1x4x8x128xf32, #tpu.memory_space<vmem>>
      %dma_wait3A_286 = tpu.memref_squeeze %dma_wait3A_285 : memref<1x4x8x128xf32, #tpu.memory_space<vmem>> -> memref<4x8x128xf32, #tpu.memory_space<vmem>>
      %dma_wait3A_287 = arith.constant 0 : i32
      %dma_wait3A_288 = arith.constant 0 : i32
      %dma_wait3A_289 = tpu.memref_slice %arg2[%dma_wait3A_287, %dma_wait3A_288, %mul3A_80] : memref<4x8x1000000xf32, #tpu.memory_space<hbm>> -> memref<4x8x128xf32, #tpu.memory_space<hbm>>
      %dma_wait3A_290 = arith.constant 0 : i32
      %dma_wait3A_291 = arith.constant 0 : i32
      %dma_wait3A_292 = arith.constant 0 : i32
      %dma_wait3A_293 = tpu.memref_slice %arg6[%dma_wait3A_281, %dma_wait3A_290, %dma_wait3A_291, %dma_wait3A_292] : memref<8x4x8x128xf32, #tpu.memory_space<vmem>> -> memref<1x4x8x128xf32, #tpu.memory_space<vmem>>
      %dma_wait3A_294 = tpu.memref_squeeze %dma_wait3A_293 : memref<1x4x8x128xf32, #tpu.memory_space<vmem>> -> memref<4x8x128xf32, #tpu.memory_space<vmem>>
      %dma_wait3A_295 = arith.constant 0 : i32
      %dma_wait3A_296 = arith.constant 0 : i32
      %dma_wait3A_297 = tpu.memref_slice %arg2[%dma_wait3A_295, %dma_wait3A_296, %mul3A_80] : memref<4x8x1000000xf32, #tpu.memory_space<hbm>> -> memref<4x8x128xf32, #tpu.memory_space<hbm>>
      tpu.wait_dma2 semaphore(%arg8 : memref<!tpu.dma_semaphore, #tpu.memory_space<semaphore_mem>>) src(%dma_wait3A_297 : memref<4x8x128xf32, #tpu.memory_space<hbm>>) dst(%dma_wait3A_294 : memref<4x8x128xf32, #tpu.memory_space<vmem>>)
      %slice3A_298 = vector.extract_strided_slice %get3A_55 {offsets = [1], sizes = [1], strides = [1]} : vector<16xi32> to vector<1xi32>
      %squeeze3A_299 = vector.extract %slice3A_298[0] : i32 from vector<1xi32>
      %and3A_300 = arith.constant 127 : i32
      %and3A_301 = arith.andi %squeeze3A_299, %and3A_300 : i32
      %broadcast_in_dim3A_302 = vector.broadcast %and3A_301 : i32 to vector<16xi32>
      %gather3A_303 = arith.constant 1 : i32
      %gather3A_304 = arith.constant 0 : i32
      %gather3A_305 = arith.constant 0 : i32
      %gather3A_306 = arith.constant 0 : i32
      %gather3A_307 = tpu.memref_slice %arg6[%gather3A_303, %gather3A_304, %gather3A_305, %gather3A_306] : memref<8x4x8x128xf32, #tpu.memory_space<vmem>> -> memref<1x4x8x128xf32, #tpu.memory_space<vmem>>
      %gather3A_308 = tpu.memref_squeeze %gather3A_307 : memref<1x4x8x128xf32, #tpu.memory_space<vmem>> -> memref<4x8x128xf32, #tpu.memory_space<vmem>>
      %gather3A_309 = tpu.vector_load_idx %gather3A_308[%select_n3A, %select_n3A_45, %broadcast_in_dim3A_302] : memref<4x8x128xf32, #tpu.memory_space<vmem>>[vector<16xi32>, vector<16xi32>, vector<16xi32>], vector<16xf32>,
      %add3A_310 = arith.constant 2 : i32
      %add3A_311 = vector.broadcast %add3A_310 : i32 to vector<16xi32>
      %add3A_312 = arith.addi %select_n3A, %add3A_311 : vector<16xi32>
      %gather3A_313 = arith.constant 1 : i32
      %gather3A_314 = arith.constant 0 : i32
      %gather3A_315 = arith.constant 0 : i32
      %gather3A_316 = arith.constant 0 : i32
      %gather3A_317 = tpu.memref_slice %arg6[%gather3A_313, %gather3A_314, %gather3A_315, %gather3A_316] : memref<8x4x8x128xf32, #tpu.memory_space<vmem>> -> memref<1x4x8x128xf32, #tpu.memory_space<vmem>>
      %gather3A_318 = tpu.memref_squeeze %gather3A_317 : memref<1x4x8x128xf32, #tpu.memory_space<vmem>> -> memref<4x8x128xf32, #tpu.memory_space<vmem>>
      %gather3A_319 = tpu.vector_load_idx %gather3A_318[%add3A_312, %select_n3A_45, %broadcast_in_dim3A_302] : memref<4x8x128xf32, #tpu.memory_space<vmem>>[vector<16xi32>, vector<16xi32>, vector<16xi32>], vector<16xf32>,
      %add3A_320 = arith.constant 1 : i32
      %add3A_321 = arith.addi %add3A_54, %add3A_320 : i32
      %swap3A_322 = arith.index_cast %add3A_321 : i32 to index
      %swap3A_323 = arith.constant 0 : index
      %swap3A_324 = tpu.vector_load %arg7[%swap3A_322, %swap3A_323] {strides = array<i32>} : memref<512x32xf32, #tpu.memory_space<vmem>>, vector<16xf32>,
      tpu.vector_store %arg7[%swap3A_322, %swap3A_323], %gather3A_309 {strides = array<i32>} : memref<512x32xf32, #tpu.memory_space<vmem>>, vector<16xf32>,
      %add3A_325 = arith.constant 1 : i32
      %add3A_326 = arith.addi %add3A_54, %add3A_325 : i32
      %swap3A_327 = arith.index_cast %add3A_326 : i32 to index
      %swap3A_328 = arith.constant 16 : index
      %swap3A_329 = tpu.vector_load %arg7[%swap3A_327, %swap3A_328] {strides = array<i32>} : memref<512x32xf32, #tpu.memory_space<vmem>>, vector<16xf32>,
      tpu.vector_store %arg7[%swap3A_327, %swap3A_328], %gather3A_319 {strides = array<i32>} : memref<512x32xf32, #tpu.memory_space<vmem>>, vector<16xf32>,
      %dma_wait3A_330 = arith.constant 2 : i32
      %dma_wait3A_331 = arith.constant 0 : i32
      %dma_wait3A_332 = arith.constant 0 : i32
      %dma_wait3A_333 = arith.constant 0 : i32
      %dma_wait3A_334 = tpu.memref_slice %arg6[%dma_wait3A_330, %dma_wait3A_331, %dma_wait3A_332, %dma_wait3A_333] : memref<8x4x8x128xf32, #tpu.memory_space<vmem>> -> memref<1x4x8x128xf32, #tpu.memory_space<vmem>>
      %dma_wait3A_335 = tpu.memref_squeeze %dma_wait3A_334 : memref<1x4x8x128xf32, #tpu.memory_space<vmem>> -> memref<4x8x128xf32, #tpu.memory_space<vmem>>
      %dma_wait3A_336 = arith.constant 0 : i32
      %dma_wait3A_337 = arith.constant 0 : i32
      %dma_wait3A_338 = tpu.memref_slice %arg2[%dma_wait3A_336, %dma_wait3A_337, %mul3A_103] : memref<4x8x1000000xf32, #tpu.memory_space<hbm>> -> memref<4x8x128xf32, #tpu.memory_space<hbm>>
      %dma_wait3A_339 = arith.constant 0 : i32
      %dma_wait3A_340 = arith.constant 0 : i32
      %dma_wait3A_341 = arith.constant 0 : i32
      %dma_wait3A_342 = tpu.memref_slice %arg6[%dma_wait3A_330, %dma_wait3A_339, %dma_wait3A_340, %dma_wait3A_341] : memref<8x4x8x128xf32, #tpu.memory_space<vmem>> -> memref<1x4x8x128xf32, #tpu.memory_space<vmem>>
      %dma_wait3A_343 = tpu.memref_squeeze %dma_wait3A_342 : memref<1x4x8x128xf32, #tpu.memory_space<vmem>> -> memref<4x8x128xf32, #tpu.memory_space<vmem>>
      %dma_wait3A_344 = arith.constant 0 : i32
      %dma_wait3A_345 = arith.constant 0 : i32
      %dma_wait3A_346 = tpu.memref_slice %arg2[%dma_wait3A_344, %dma_wait3A_345, %mul3A_103] : memref<4x8x1000000xf32, #tpu.memory_space<hbm>> -> memref<4x8x128xf32, #tpu.memory_space<hbm>>
      tpu.wait_dma2 semaphore(%arg8 : memref<!tpu.dma_semaphore, #tpu.memory_space<semaphore_mem>>) src(%dma_wait3A_346 : memref<4x8x128xf32, #tpu.memory_space<hbm>>) dst(%dma_wait3A_343 : memref<4x8x128xf32, #tpu.memory_space<vmem>>)
      %slice3A_347 = vector.extract_strided_slice %get3A_55 {offsets = [2], sizes = [1], strides = [1]} : vector<16xi32> to vector<1xi32>
      %squeeze3A_348 = vector.extract %slice3A_347[0] : i32 from vector<1xi32>
      %and3A_349 = arith.constant 127 : i32
      %and3A_350 = arith.andi %squeeze3A_348, %and3A_349 : i32
      %broadcast_in_dim3A_351 = vector.broadcast %and3A_350 : i32 to vector<16xi32>
      %gather3A_352 = arith.constant 2 : i32
      %gather3A_353 = arith.constant 0 : i32
      %gather3A_354 = arith.constant 0 : i32
      %gather3A_355 = arith.constant 0 : i32
      %gather3A_356 = tpu.memref_slice %arg6[%gather3A_352, %gather3A_353, %gather3A_354, %gather3A_355] : memref<8x4x8x128xf32, #tpu.memory_space<vmem>> -> memref<1x4x8x128xf32, #tpu.memory_space<vmem>>
      %gather3A_357 = tpu.memref_squeeze %gather3A_356 : memref<1x4x8x128xf32, #tpu.memory_space<vmem>> -> memref<4x8x128xf32, #tpu.memory_space<vmem>>
      %gather3A_358 = tpu.vector_load_idx %gather3A_357[%select_n3A, %select_n3A_45, %broadcast_in_dim3A_351] : memref<4x8x128xf32, #tpu.memory_space<vmem>>[vector<16xi32>, vector<16xi32>, vector<16xi32>], vector<16xf32>,
      %add3A_359 = arith.constant 2 : i32
      %add3A_360 = vector.broadcast %add3A_359 : i32 to vector<16xi32>
      %add3A_361 = arith.addi %select_n3A, %add3A_360 : vector<16xi32>
      %gather3A_362 = arith.constant 2 : i32
      %gather3A_363 = arith.constant 0 : i32
      %gather3A_364 = arith.constant 0 : i32
      %gather3A_365 = arith.constant 0 : i32
      %gather3A_366 = tpu.memref_slice %arg6[%gather3A_362, %gather3A_363, %gather3A_364, %gather3A_365] : memref<8x4x8x128xf32, #tpu.memory_space<vmem>> -> memref<1x4x8x128xf32, #tpu.memory_space<vmem>>
      %gather3A_367 = tpu.memref_squeeze %gather3A_366 : memref<1x4x8x128xf32, #tpu.memory_space<vmem>> -> memref<4x8x128xf32, #tpu.memory_space<vmem>>
      %gather3A_368 = tpu.vector_load_idx %gather3A_367[%add3A_361, %select_n3A_45, %broadcast_in_dim3A_351] : memref<4x8x128xf32, #tpu.memory_space<vmem>>[vector<16xi32>, vector<16xi32>, vector<16xi32>], vector<16xf32>,
      %add3A_369 = arith.constant 2 : i32
      %add3A_370 = arith.addi %add3A_54, %add3A_369 : i32
      %swap3A_371 = arith.index_cast %add3A_370 : i32 to index
      %swap3A_372 = arith.constant 0 : index
      %swap3A_373 = tpu.vector_load %arg7[%swap3A_371, %swap3A_372] {strides = array<i32>} : memref<512x32xf32, #tpu.memory_space<vmem>>, vector<16xf32>,
      tpu.vector_store %arg7[%swap3A_371, %swap3A_372], %gather3A_358 {strides = array<i32>} : memref<512x32xf32, #tpu.memory_space<vmem>>, vector<16xf32>,
      %add3A_374 = arith.constant 2 : i32
      %add3A_375 = arith.addi %add3A_54, %add3A_374 : i32
      %swap3A_376 = arith.index_cast %add3A_375 : i32 to index
      %swap3A_377 = arith.constant 16 : index
      %swap3A_378 = tpu.vector_load %arg7[%swap3A_376, %swap3A_377] {strides = array<i32>} : memref<512x32xf32, #tpu.memory_space<vmem>>, vector<16xf32>,
      tpu.vector_store %arg7[%swap3A_376, %swap3A_377], %gather3A_368 {strides = array<i32>} : memref<512x32xf32, #tpu.memory_space<vmem>>, vector<16xf32>,
      %dma_wait3A_379 = arith.constant 3 : i32
      %dma_wait3A_380 = arith.constant 0 : i32
      %dma_wait3A_381 = arith.constant 0 : i32
      %dma_wait3A_382 = arith.constant 0 : i32
      %dma_wait3A_383 = tpu.memref_slice %arg6[%dma_wait3A_379, %dma_wait3A_380, %dma_wait3A_381, %dma_wait3A_382] : memref<8x4x8x128xf32, #tpu.memory_space<vmem>> -> memref<1x4x8x128xf32, #tpu.memory_space<vmem>>
      %dma_wait3A_384 = tpu.memref_squeeze %dma_wait3A_383 : memref<1x4x8x128xf32, #tpu.memory_space<vmem>> -> memref<4x8x128xf32, #tpu.memory_space<vmem>>
      %dma_wait3A_385 = arith.constant 0 : i32
      %dma_wait3A_386 = arith.constant 0 : i32
      %dma_wait3A_387 = tpu.memref_slice %arg2[%dma_wait3A_385, %dma_wait3A_386, %mul3A_126] : memref<4x8x1000000xf32, #tpu.memory_space<hbm>> -> memref<4x8x128xf32, #tpu.memory_space<hbm>>
      %dma_wait3A_388 = arith.constant 0 : i32
      %dma_wait3A_389 = arith.constant 0 : i32
      %dma_wait3A_390 = arith.constant 0 : i32
      %dma_wait3A_391 = tpu.memref_slice %arg6[%dma_wait3A_379, %dma_wait3A_388, %dma_wait3A_389, %dma_wait3A_390] : memref<8x4x8x128xf32, #tpu.memory_space<vmem>> -> memref<1x4x8x128xf32, #tpu.memory_space<vmem>>
      %dma_wait3A_392 = tpu.memref_squeeze %dma_wait3A_391 : memref<1x4x8x128xf32, #tpu.memory_space<vmem>> -> memref<4x8x128xf32, #tpu.memory_space<vmem>>
      %dma_wait3A_393 = arith.constant 0 : i32
      %dma_wait3A_394 = arith.constant 0 : i32
      %dma_wait3A_395 = tpu.memref_slice %arg2[%dma_wait3A_393, %dma_wait3A_394, %mul3A_126] : memref<4x8x1000000xf32, #tpu.memory_space<hbm>> -> memref<4x8x128xf32, #tpu.memory_space<hbm>>
      tpu.wait_dma2 semaphore(%arg8 : memref<!tpu.dma_semaphore, #tpu.memory_space<semaphore_mem>>) src(%dma_wait3A_395 : memref<4x8x128xf32, #tpu.memory_space<hbm>>) dst(%dma_wait3A_392 : memref<4x8x128xf32, #tpu.memory_space<vmem>>)
      %slice3A_396 = vector.extract_strided_slice %get3A_55 {offsets = [3], sizes = [1], strides = [1]} : vector<16xi32> to vector<1xi32>
      %squeeze3A_397 = vector.extract %slice3A_396[0] : i32 from vector<1xi32>
      %and3A_398 = arith.constant 127 : i32
      %and3A_399 = arith.andi %squeeze3A_397, %and3A_398 : i32
      %broadcast_in_dim3A_400 = vector.broadcast %and3A_399 : i32 to vector<16xi32>
      %gather3A_401 = arith.constant 3 : i32
      %gather3A_402 = arith.constant 0 : i32
      %gather3A_403 = arith.constant 0 : i32
      %gather3A_404 = arith.constant 0 : i32
      %gather3A_405 = tpu.memref_slice %arg6[%gather3A_401, %gather3A_402, %gather3A_403, %gather3A_404] : memref<8x4x8x128xf32, #tpu.memory_space<vmem>> -> memref<1x4x8x128xf32, #tpu.memory_space<vmem>>
      %gather3A_406 = tpu.memref_squeeze %gather3A_405 : memref<1x4x8x128xf32, #tpu.memory_space<vmem>> -> memref<4x8x128xf32, #tpu.memory_space<vmem>>
      %gather3A_407 = tpu.vector_load_idx %gather3A_406[%select_n3A, %select_n3A_45, %broadcast_in_dim3A_400] : memref<4x8x128xf32, #tpu.memory_space<vmem>>[vector<16xi32>, vector<16xi32>, vector<16xi32>], vector<16xf32>,
      %add3A_408 = arith.constant 2 : i32
      %add3A_409 = vector.broadcast %add3A_408 : i32 to vector<16xi32>
      %add3A_410 = arith.addi %select_n3A, %add3A_409 : vector<16xi32>
      %gather3A_411 = arith.constant 3 : i32
      %gather3A_412 = arith.constant 0 : i32
      %gather3A_413 = arith.constant 0 : i32
      %gather3A_414 = arith.constant 0 : i32
      %gather3A_415 = tpu.memref_slice %arg6[%gather3A_411, %gather3A_412, %gather3A_413, %gather3A_414] : memref<8x4x8x128xf32, #tpu.memory_space<vmem>> -> memref<1x4x8x128xf32, #tpu.memory_space<vmem>>
      %gather3A_416 = tpu.memref_squeeze %gather3A_415 : memref<1x4x8x128xf32, #tpu.memory_space<vmem>> -> memref<4x8x128xf32, #tpu.memory_space<vmem>>
      %gather3A_417 = tpu.vector_load_idx %gather3A_416[%add3A_410, %select_n3A_45, %broadcast_in_dim3A_400] : memref<4x8x128xf32, #tpu.memory_space<vmem>>[vector<16xi32>, vector<16xi32>, vector<16xi32>], vector<16xf32>,
      %add3A_418 = arith.constant 3 : i32
      %add3A_419 = arith.addi %add3A_54, %add3A_418 : i32
      %swap3A_420 = arith.index_cast %add3A_419 : i32 to index
      %swap3A_421 = arith.constant 0 : index
      %swap3A_422 = tpu.vector_load %arg7[%swap3A_420, %swap3A_421] {strides = array<i32>} : memref<512x32xf32, #tpu.memory_space<vmem>>, vector<16xf32>,
      tpu.vector_store %arg7[%swap3A_420, %swap3A_421], %gather3A_407 {strides = array<i32>} : memref<512x32xf32, #tpu.memory_space<vmem>>, vector<16xf32>,
      %add3A_423 = arith.constant 3 : i32
      %add3A_424 = arith.addi %add3A_54, %add3A_423 : i32
      %swap3A_425 = arith.index_cast %add3A_424 : i32 to index
      %swap3A_426 = arith.constant 16 : index
      %swap3A_427 = tpu.vector_load %arg7[%swap3A_425, %swap3A_426] {strides = array<i32>} : memref<512x32xf32, #tpu.memory_space<vmem>>, vector<16xf32>,
      tpu.vector_store %arg7[%swap3A_425, %swap3A_426], %gather3A_417 {strides = array<i32>} : memref<512x32xf32, #tpu.memory_space<vmem>>, vector<16xf32>,
      %dma_wait3A_428 = arith.constant 4 : i32
      %dma_wait3A_429 = arith.constant 0 : i32
      %dma_wait3A_430 = arith.constant 0 : i32
      %dma_wait3A_431 = arith.constant 0 : i32
      %dma_wait3A_432 = tpu.memref_slice %arg6[%dma_wait3A_428, %dma_wait3A_429, %dma_wait3A_430, %dma_wait3A_431] : memref<8x4x8x128xf32, #tpu.memory_space<vmem>> -> memref<1x4x8x128xf32, #tpu.memory_space<vmem>>
      %dma_wait3A_433 = tpu.memref_squeeze %dma_wait3A_432 : memref<1x4x8x128xf32, #tpu.memory_space<vmem>> -> memref<4x8x128xf32, #tpu.memory_space<vmem>>
      %dma_wait3A_434 = arith.constant 0 : i32
      %dma_wait3A_435 = arith.constant 0 : i32
      %dma_wait3A_436 = tpu.memref_slice %arg2[%dma_wait3A_434, %dma_wait3A_435, %mul3A_149] : memref<4x8x1000000xf32, #tpu.memory_space<hbm>> -> memref<4x8x128xf32, #tpu.memory_space<hbm>>
      %dma_wait3A_437 = arith.constant 0 : i32
      %dma_wait3A_438 = arith.constant 0 : i32
      %dma_wait3A_439 = arith.constant 0 : i32
      %dma_wait3A_440 = tpu.memref_slice %arg6[%dma_wait3A_428, %dma_wait3A_437, %dma_wait3A_438, %dma_wait3A_439] : memref<8x4x8x128xf32, #tpu.memory_space<vmem>> -> memref<1x4x8x128xf32, #tpu.memory_space<vmem>>
      %dma_wait3A_441 = tpu.memref_squeeze %dma_wait3A_440 : memref<1x4x8x128xf32, #tpu.memory_space<vmem>> -> memref<4x8x128xf32, #tpu.memory_space<vmem>>
      %dma_wait3A_442 = arith.constant 0 : i32
      %dma_wait3A_443 = arith.constant 0 : i32
      %dma_wait3A_444 = tpu.memref_slice %arg2[%dma_wait3A_442, %dma_wait3A_443, %mul3A_149] : memref<4x8x1000000xf32, #tpu.memory_space<hbm>> -> memref<4x8x128xf32, #tpu.memory_space<hbm>>
      tpu.wait_dma2 semaphore(%arg8 : memref<!tpu.dma_semaphore, #tpu.memory_space<semaphore_mem>>) src(%dma_wait3A_444 : memref<4x8x128xf32, #tpu.memory_space<hbm>>) dst(%dma_wait3A_441 : memref<4x8x128xf32, #tpu.memory_space<vmem>>)
      %slice3A_445 = vector.extract_strided_slice %get3A_55 {offsets = [4], sizes = [1], strides = [1]} : vector<16xi32> to vector<1xi32>
      %squeeze3A_446 = vector.extract %slice3A_445[0] : i32 from vector<1xi32>
      %and3A_447 = arith.constant 127 : i32
      %and3A_448 = arith.andi %squeeze3A_446, %and3A_447 : i32
      %broadcast_in_dim3A_449 = vector.broadcast %and3A_448 : i32 to vector<16xi32>
      %gather3A_450 = arith.constant 4 : i32
      %gather3A_451 = arith.constant 0 : i32
      %gather3A_452 = arith.constant 0 : i32
      %gather3A_453 = arith.constant 0 : i32
      %gather3A_454 = tpu.memref_slice %arg6[%gather3A_450, %gather3A_451, %gather3A_452, %gather3A_453] : memref<8x4x8x128xf32, #tpu.memory_space<vmem>> -> memref<1x4x8x128xf32, #tpu.memory_space<vmem>>
      %gather3A_455 = tpu.memref_squeeze %gather3A_454 : memref<1x4x8x128xf32, #tpu.memory_space<vmem>> -> memref<4x8x128xf32, #tpu.memory_space<vmem>>
      %gather3A_456 = tpu.vector_load_idx %gather3A_455[%select_n3A, %select_n3A_45, %broadcast_in_dim3A_449] : memref<4x8x128xf32, #tpu.memory_space<vmem>>[vector<16xi32>, vector<16xi32>, vector<16xi32>], vector<16xf32>,
      %add3A_457 = arith.constant 2 : i32
      %add3A_458 = vector.broadcast %add3A_457 : i32 to vector<16xi32>
      %add3A_459 = arith.addi %select_n3A, %add3A_458 : vector<16xi32>
      %gather3A_460 = arith.constant 4 : i32
      %gather3A_461 = arith.constant 0 : i32
      %gather3A_462 = arith.constant 0 : i32
      %gather3A_463 = arith.constant 0 : i32
      %gather3A_464 = tpu.memref_slice %arg6[%gather3A_460, %gather3A_461, %gather3A_462, %gather3A_463] : memref<8x4x8x128xf32, #tpu.memory_space<vmem>> -> memref<1x4x8x128xf32, #tpu.memory_space<vmem>>
      %gather3A_465 = tpu.memref_squeeze %gather3A_464 : memref<1x4x8x128xf32, #tpu.memory_space<vmem>> -> memref<4x8x128xf32, #tpu.memory_space<vmem>>
      %gather3A_466 = tpu.vector_load_idx %gather3A_465[%add3A_459, %select_n3A_45, %broadcast_in_dim3A_449] : memref<4x8x128xf32, #tpu.memory_space<vmem>>[vector<16xi32>, vector<16xi32>, vector<16xi32>], vector<16xf32>,
      %add3A_467 = arith.constant 4 : i32
      %add3A_468 = arith.addi %add3A_54, %add3A_467 : i32
      %swap3A_469 = arith.index_cast %add3A_468 : i32 to index
      %swap3A_470 = arith.constant 0 : index
      %swap3A_471 = tpu.vector_load %arg7[%swap3A_469, %swap3A_470] {strides = array<i32>} : memref<512x32xf32, #tpu.memory_space<vmem>>, vector<16xf32>,
      tpu.vector_store %arg7[%swap3A_469, %swap3A_470], %gather3A_456 {strides = array<i32>} : memref<512x32xf32, #tpu.memory_space<vmem>>, vector<16xf32>,
      %add3A_472 = arith.constant 4 : i32
      %add3A_473 = arith.addi %add3A_54, %add3A_472 : i32
      %swap3A_474 = arith.index_cast %add3A_473 : i32 to index
      %swap3A_475 = arith.constant 16 : index
      %swap3A_476 = tpu.vector_load %arg7[%swap3A_474, %swap3A_475] {strides = array<i32>} : memref<512x32xf32, #tpu.memory_space<vmem>>, vector<16xf32>,
      tpu.vector_store %arg7[%swap3A_474, %swap3A_475], %gather3A_466 {strides = array<i32>} : memref<512x32xf32, #tpu.memory_space<vmem>>, vector<16xf32>,
      %dma_wait3A_477 = arith.constant 5 : i32
      %dma_wait3A_478 = arith.constant 0 : i32
      %dma_wait3A_479 = arith.constant 0 : i32
      %dma_wait3A_480 = arith.constant 0 : i32
      %dma_wait3A_481 = tpu.memref_slice %arg6[%dma_wait3A_477, %dma_wait3A_478, %dma_wait3A_479, %dma_wait3A_480] : memref<8x4x8x128xf32, #tpu.memory_space<vmem>> -> memref<1x4x8x128xf32, #tpu.memory_space<vmem>>
      %dma_wait3A_482 = tpu.memref_squeeze %dma_wait3A_481 : memref<1x4x8x128xf32, #tpu.memory_space<vmem>> -> memref<4x8x128xf32, #tpu.memory_space<vmem>>
      %dma_wait3A_483 = arith.constant 0 : i32
      %dma_wait3A_484 = arith.constant 0 : i32
      %dma_wait3A_485 = tpu.memref_slice %arg2[%dma_wait3A_483, %dma_wait3A_484, %mul3A_172] : memref<4x8x1000000xf32, #tpu.memory_space<hbm>> -> memref<4x8x128xf32, #tpu.memory_space<hbm>>
      %dma_wait3A_486 = arith.constant 0 : i32
      %dma_wait3A_487 = arith.constant 0 : i32
      %dma_wait3A_488 = arith.constant 0 : i32
      %dma_wait3A_489 = tpu.memref_slice %arg6[%dma_wait3A_477, %dma_wait3A_486, %dma_wait3A_487, %dma_wait3A_488] : memref<8x4x8x128xf32, #tpu.memory_space<vmem>> -> memref<1x4x8x128xf32, #tpu.memory_space<vmem>>
      %dma_wait3A_490 = tpu.memref_squeeze %dma_wait3A_489 : memref<1x4x8x128xf32, #tpu.memory_space<vmem>> -> memref<4x8x128xf32, #tpu.memory_space<vmem>>
      %dma_wait3A_491 = arith.constant 0 : i32
      %dma_wait3A_492 = arith.constant 0 : i32
      %dma_wait3A_493 = tpu.memref_slice %arg2[%dma_wait3A_491, %dma_wait3A_492, %mul3A_172] : memref<4x8x1000000xf32, #tpu.memory_space<hbm>> -> memref<4x8x128xf32, #tpu.memory_space<hbm>>
      tpu.wait_dma2 semaphore(%arg8 : memref<!tpu.dma_semaphore, #tpu.memory_space<semaphore_mem>>) src(%dma_wait3A_493 : memref<4x8x128xf32, #tpu.memory_space<hbm>>) dst(%dma_wait3A_490 : memref<4x8x128xf32, #tpu.memory_space<vmem>>)
      %slice3A_494 = vector.extract_strided_slice %get3A_55 {offsets = [5], sizes = [1], strides = [1]} : vector<16xi32> to vector<1xi32>
      %squeeze3A_495 = vector.extract %slice3A_494[0] : i32 from vector<1xi32>
      %and3A_496 = arith.constant 127 : i32
      %and3A_497 = arith.andi %squeeze3A_495, %and3A_496 : i32
      %broadcast_in_dim3A_498 = vector.broadcast %and3A_497 : i32 to vector<16xi32>
      %gather3A_499 = arith.constant 5 : i32
      %gather3A_500 = arith.constant 0 : i32
      %gather3A_501 = arith.constant 0 : i32
      %gather3A_502 = arith.constant 0 : i32
      %gather3A_503 = tpu.memref_slice %arg6[%gather3A_499, %gather3A_500, %gather3A_501, %gather3A_502] : memref<8x4x8x128xf32, #tpu.memory_space<vmem>> -> memref<1x4x8x128xf32, #tpu.memory_space<vmem>>
      %gather3A_504 = tpu.memref_squeeze %gather3A_503 : memref<1x4x8x128xf32, #tpu.memory_space<vmem>> -> memref<4x8x128xf32, #tpu.memory_space<vmem>>
      %gather3A_505 = tpu.vector_load_idx %gather3A_504[%select_n3A, %select_n3A_45, %broadcast_in_dim3A_498] : memref<4x8x128xf32, #tpu.memory_space<vmem>>[vector<16xi32>, vector<16xi32>, vector<16xi32>], vector<16xf32>,
      %add3A_506 = arith.constant 2 : i32
      %add3A_507 = vector.broadcast %add3A_506 : i32 to vector<16xi32>
      %add3A_508 = arith.addi %select_n3A, %add3A_507 : vector<16xi32>
      %gather3A_509 = arith.constant 5 : i32
      %gather3A_510 = arith.constant 0 : i32
      %gather3A_511 = arith.constant 0 : i32
      %gather3A_512 = arith.constant 0 : i32
      %gather3A_513 = tpu.memref_slice %arg6[%gather3A_509, %gather3A_510, %gather3A_511, %gather3A_512] : memref<8x4x8x128xf32, #tpu.memory_space<vmem>> -> memref<1x4x8x128xf32, #tpu.memory_space<vmem>>
      %gather3A_514 = tpu.memref_squeeze %gather3A_513 : memref<1x4x8x128xf32, #tpu.memory_space<vmem>> -> memref<4x8x128xf32, #tpu.memory_space<vmem>>
      %gather3A_515 = tpu.vector_load_idx %gather3A_514[%add3A_508, %select_n3A_45, %broadcast_in_dim3A_498] : memref<4x8x128xf32, #tpu.memory_space<vmem>>[vector<16xi32>, vector<16xi32>, vector<16xi32>], vector<16xf32>,
      %add3A_516 = arith.constant 5 : i32
      %add3A_517 = arith.addi %add3A_54, %add3A_516 : i32
      %swap3A_518 = arith.index_cast %add3A_517 : i32 to index
      %swap3A_519 = arith.constant 0 : index
      %swap3A_520 = tpu.vector_load %arg7[%swap3A_518, %swap3A_519] {strides = array<i32>} : memref<512x32xf32, #tpu.memory_space<vmem>>, vector<16xf32>,
      tpu.vector_store %arg7[%swap3A_518, %swap3A_519], %gather3A_505 {strides = array<i32>} : memref<512x32xf32, #tpu.memory_space<vmem>>, vector<16xf32>,
      %add3A_521 = arith.constant 5 : i32
      %add3A_522 = arith.addi %add3A_54, %add3A_521 : i32
      %swap3A_523 = arith.index_cast %add3A_522 : i32 to index
      %swap3A_524 = arith.constant 16 : index
      %swap3A_525 = tpu.vector_load %arg7[%swap3A_523, %swap3A_524] {strides = array<i32>} : memref<512x32xf32, #tpu.memory_space<vmem>>, vector<16xf32>,
      tpu.vector_store %arg7[%swap3A_523, %swap3A_524], %gather3A_515 {strides = array<i32>} : memref<512x32xf32, #tpu.memory_space<vmem>>, vector<16xf32>,
      %dma_wait3A_526 = arith.constant 6 : i32
      %dma_wait3A_527 = arith.constant 0 : i32
      %dma_wait3A_528 = arith.constant 0 : i32
      %dma_wait3A_529 = arith.constant 0 : i32
      %dma_wait3A_530 = tpu.memref_slice %arg6[%dma_wait3A_526, %dma_wait3A_527, %dma_wait3A_528, %dma_wait3A_529] : memref<8x4x8x128xf32, #tpu.memory_space<vmem>> -> memref<1x4x8x128xf32, #tpu.memory_space<vmem>>
      %dma_wait3A_531 = tpu.memref_squeeze %dma_wait3A_530 : memref<1x4x8x128xf32, #tpu.memory_space<vmem>> -> memref<4x8x128xf32, #tpu.memory_space<vmem>>
      %dma_wait3A_532 = arith.constant 0 : i32
      %dma_wait3A_533 = arith.constant 0 : i32
      %dma_wait3A_534 = tpu.memref_slice %arg2[%dma_wait3A_532, %dma_wait3A_533, %mul3A_195] : memref<4x8x1000000xf32, #tpu.memory_space<hbm>> -> memref<4x8x128xf32, #tpu.memory_space<hbm>>
      %dma_wait3A_535 = arith.constant 0 : i32
      %dma_wait3A_536 = arith.constant 0 : i32
      %dma_wait3A_537 = arith.constant 0 : i32
      %dma_wait3A_538 = tpu.memref_slice %arg6[%dma_wait3A_526, %dma_wait3A_535, %dma_wait3A_536, %dma_wait3A_537] : memref<8x4x8x128xf32, #tpu.memory_space<vmem>> -> memref<1x4x8x128xf32, #tpu.memory_space<vmem>>
      %dma_wait3A_539 = tpu.memref_squeeze %dma_wait3A_538 : memref<1x4x8x128xf32, #tpu.memory_space<vmem>> -> memref<4x8x128xf32, #tpu.memory_space<vmem>>
      %dma_wait3A_540 = arith.constant 0 : i32
      %dma_wait3A_541 = arith.constant 0 : i32
      %dma_wait3A_542 = tpu.memref_slice %arg2[%dma_wait3A_540, %dma_wait3A_541, %mul3A_195] : memref<4x8x1000000xf32, #tpu.memory_space<hbm>> -> memref<4x8x128xf32, #tpu.memory_space<hbm>>
      tpu.wait_dma2 semaphore(%arg8 : memref<!tpu.dma_semaphore, #tpu.memory_space<semaphore_mem>>) src(%dma_wait3A_542 : memref<4x8x128xf32, #tpu.memory_space<hbm>>) dst(%dma_wait3A_539 : memref<4x8x128xf32, #tpu.memory_space<vmem>>)
      %slice3A_543 = vector.extract_strided_slice %get3A_55 {offsets = [6], sizes = [1], strides = [1]} : vector<16xi32> to vector<1xi32>
      %squeeze3A_544 = vector.extract %slice3A_543[0] : i32 from vector<1xi32>
      %and3A_545 = arith.constant 127 : i32
      %and3A_546 = arith.andi %squeeze3A_544, %and3A_545 : i32
      %broadcast_in_dim3A_547 = vector.broadcast %and3A_546 : i32 to vector<16xi32>
      %gather3A_548 = arith.constant 6 : i32
      %gather3A_549 = arith.constant 0 : i32
      %gather3A_550 = arith.constant 0 : i32
      %gather3A_551 = arith.constant 0 : i32
      %gather3A_552 = tpu.memref_slice %arg6[%gather3A_548, %gather3A_549, %gather3A_550, %gather3A_551] : memref<8x4x8x128xf32, #tpu.memory_space<vmem>> -> memref<1x4x8x128xf32, #tpu.memory_space<vmem>>
      %gather3A_553 = tpu.memref_squeeze %gather3A_552 : memref<1x4x8x128xf32, #tpu.memory_space<vmem>> -> memref<4x8x128xf32, #tpu.memory_space<vmem>>
      %gather3A_554 = tpu.vector_load_idx %gather3A_553[%select_n3A, %select_n3A_45, %broadcast_in_dim3A_547] : memref<4x8x128xf32, #tpu.memory_space<vmem>>[vector<16xi32>, vector<16xi32>, vector<16xi32>], vector<16xf32>,
      %add3A_555 = arith.constant 2 : i32
      %add3A_556 = vector.broadcast %add3A_555 : i32 to vector<16xi32>
      %add3A_557 = arith.addi %select_n3A, %add3A_556 : vector<16xi32>
      %gather3A_558 = arith.constant 6 : i32
      %gather3A_559 = arith.constant 0 : i32
      %gather3A_560 = arith.constant 0 : i32
      %gather3A_561 = arith.constant 0 : i32
      %gather3A_562 = tpu.memref_slice %arg6[%gather3A_558, %gather3A_559, %gather3A_560, %gather3A_561] : memref<8x4x8x128xf32, #tpu.memory_space<vmem>> -> memref<1x4x8x128xf32, #tpu.memory_space<vmem>>
      %gather3A_563 = tpu.memref_squeeze %gather3A_562 : memref<1x4x8x128xf32, #tpu.memory_space<vmem>> -> memref<4x8x128xf32, #tpu.memory_space<vmem>>
      %gather3A_564 = tpu.vector_load_idx %gather3A_563[%add3A_557, %select_n3A_45, %broadcast_in_dim3A_547] : memref<4x8x128xf32, #tpu.memory_space<vmem>>[vector<16xi32>, vector<16xi32>, vector<16xi32>], vector<16xf32>,
      %add3A_565 = arith.constant 6 : i32
      %add3A_566 = arith.addi %add3A_54, %add3A_565 : i32
      %swap3A_567 = arith.index_cast %add3A_566 : i32 to index
      %swap3A_568 = arith.constant 0 : index
      %swap3A_569 = tpu.vector_load %arg7[%swap3A_567, %swap3A_568] {strides = array<i32>} : memref<512x32xf32, #tpu.memory_space<vmem>>, vector<16xf32>,
      tpu.vector_store %arg7[%swap3A_567, %swap3A_568], %gather3A_554 {strides = array<i32>} : memref<512x32xf32, #tpu.memory_space<vmem>>, vector<16xf32>,
      %add3A_570 = arith.constant 6 : i32
      %add3A_571 = arith.addi %add3A_54, %add3A_570 : i32
      %swap3A_572 = arith.index_cast %add3A_571 : i32 to index
      %swap3A_573 = arith.constant 16 : index
      %swap3A_574 = tpu.vector_load %arg7[%swap3A_572, %swap3A_573] {strides = array<i32>} : memref<512x32xf32, #tpu.memory_space<vmem>>, vector<16xf32>,
      tpu.vector_store %arg7[%swap3A_572, %swap3A_573], %gather3A_564 {strides = array<i32>} : memref<512x32xf32, #tpu.memory_space<vmem>>, vector<16xf32>,
      %dma_wait3A_575 = arith.constant 7 : i32
      %dma_wait3A_576 = arith.constant 0 : i32
      %dma_wait3A_577 = arith.constant 0 : i32
      %dma_wait3A_578 = arith.constant 0 : i32
      %dma_wait3A_579 = tpu.memref_slice %arg6[%dma_wait3A_575, %dma_wait3A_576, %dma_wait3A_577, %dma_wait3A_578] : memref<8x4x8x128xf32, #tpu.memory_space<vmem>> -> memref<1x4x8x128xf32, #tpu.memory_space<vmem>>
      %dma_wait3A_580 = tpu.memref_squeeze %dma_wait3A_579 : memref<1x4x8x128xf32, #tpu.memory_space<vmem>> -> memref<4x8x128xf32, #tpu.memory_space<vmem>>
      %dma_wait3A_581 = arith.constant 0 : i32
      %dma_wait3A_582 = arith.constant 0 : i32
      %dma_wait3A_583 = tpu.memref_slice %arg2[%dma_wait3A_581, %dma_wait3A_582, %mul3A_218] : memref<4x8x1000000xf32, #tpu.memory_space<hbm>> -> memref<4x8x128xf32, #tpu.memory_space<hbm>>
      %dma_wait3A_584 = arith.constant 0 : i32
      %dma_wait3A_585 = arith.constant 0 : i32
      %dma_wait3A_586 = arith.constant 0 : i32
      %dma_wait3A_587 = tpu.memref_slice %arg6[%dma_wait3A_575, %dma_wait3A_584, %dma_wait3A_585, %dma_wait3A_586] : memref<8x4x8x128xf32, #tpu.memory_space<vmem>> -> memref<1x4x8x128xf32, #tpu.memory_space<vmem>>
      %dma_wait3A_588 = tpu.memref_squeeze %dma_wait3A_587 : memref<1x4x8x128xf32, #tpu.memory_space<vmem>> -> memref<4x8x128xf32, #tpu.memory_space<vmem>>
      %dma_wait3A_589 = arith.constant 0 : i32
      %dma_wait3A_590 = arith.constant 0 : i32
      %dma_wait3A_591 = tpu.memref_slice %arg2[%dma_wait3A_589, %dma_wait3A_590, %mul3A_218] : memref<4x8x1000000xf32, #tpu.memory_space<hbm>> -> memref<4x8x128xf32, #tpu.memory_space<hbm>>
      tpu.wait_dma2 semaphore(%arg8 : memref<!tpu.dma_semaphore, #tpu.memory_space<semaphore_mem>>) src(%dma_wait3A_591 : memref<4x8x128xf32, #tpu.memory_space<hbm>>) dst(%dma_wait3A_588 : memref<4x8x128xf32, #tpu.memory_space<vmem>>)
      %slice3A_592 = vector.extract_strided_slice %get3A_55 {offsets = [7], sizes = [1], strides = [1]} : vector<16xi32> to vector<1xi32>
      %squeeze3A_593 = vector.extract %slice3A_592[0] : i32 from vector<1xi32>
      %and3A_594 = arith.constant 127 : i32
      %and3A_595 = arith.andi %squeeze3A_593, %and3A_594 : i32
      %broadcast_in_dim3A_596 = vector.broadcast %and3A_595 : i32 to vector<16xi32>
      %gather3A_597 = arith.constant 7 : i32
      %gather3A_598 = arith.constant 0 : i32
      %gather3A_599 = arith.constant 0 : i32
      %gather3A_600 = arith.constant 0 : i32
      %gather3A_601 = tpu.memref_slice %arg6[%gather3A_597, %gather3A_598, %gather3A_599, %gather3A_600] : memref<8x4x8x128xf32, #tpu.memory_space<vmem>> -> memref<1x4x8x128xf32, #tpu.memory_space<vmem>>
      %gather3A_602 = tpu.memref_squeeze %gather3A_601 : memref<1x4x8x128xf32, #tpu.memory_space<vmem>> -> memref<4x8x128xf32, #tpu.memory_space<vmem>>
      %gather3A_603 = tpu.vector_load_idx %gather3A_602[%select_n3A, %select_n3A_45, %broadcast_in_dim3A_596] : memref<4x8x128xf32, #tpu.memory_space<vmem>>[vector<16xi32>, vector<16xi32>, vector<16xi32>], vector<16xf32>,
      %add3A_604 = arith.constant 2 : i32
      %add3A_605 = vector.broadcast %add3A_604 : i32 to vector<16xi32>
      %add3A_606 = arith.addi %select_n3A, %add3A_605 : vector<16xi32>
      %gather3A_607 = arith.constant 7 : i32
      %gather3A_608 = arith.constant 0 : i32
      %gather3A_609 = arith.constant 0 : i32
      %gather3A_610 = arith.constant 0 : i32
      %gather3A_611 = tpu.memref_slice %arg6[%gather3A_607, %gather3A_608, %gather3A_609, %gather3A_610] : memref<8x4x8x128xf32, #tpu.memory_space<vmem>> -> memref<1x4x8x128xf32, #tpu.memory_space<vmem>>
      %gather3A_612 = tpu.memref_squeeze %gather3A_611 : memref<1x4x8x128xf32, #tpu.memory_space<vmem>> -> memref<4x8x128xf32, #tpu.memory_space<vmem>>
      %gather3A_613 = tpu.vector_load_idx %gather3A_612[%add3A_606, %select_n3A_45, %broadcast_in_dim3A_596] : memref<4x8x128xf32, #tpu.memory_space<vmem>>[vector<16xi32>, vector<16xi32>, vector<16xi32>], vector<16xf32>,
      %add3A_614 = arith.constant 7 : i32
      %add3A_615 = arith.addi %add3A_54, %add3A_614 : i32
      %swap3A_616 = arith.index_cast %add3A_615 : i32 to index
      %swap3A_617 = arith.constant 0 : index
      %swap3A_618 = tpu.vector_load %arg7[%swap3A_616, %swap3A_617] {strides = array<i32>} : memref<512x32xf32, #tpu.memory_space<vmem>>, vector<16xf32>,
      tpu.vector_store %arg7[%swap3A_616, %swap3A_617], %gather3A_603 {strides = array<i32>} : memref<512x32xf32, #tpu.memory_space<vmem>>, vector<16xf32>,
      %add3A_619 = arith.constant 7 : i32
      %add3A_620 = arith.addi %add3A_54, %add3A_619 : i32
      %swap3A_621 = arith.index_cast %add3A_620 : i32 to index
      %swap3A_622 = arith.constant 16 : index
      %swap3A_623 = tpu.vector_load %arg7[%swap3A_621, %swap3A_622] {strides = array<i32>} : memref<512x32xf32, #tpu.memory_space<vmem>>, vector<16xf32>,
      tpu.vector_store %arg7[%swap3A_621, %swap3A_622], %gather3A_613 {strides = array<i32>} : memref<512x32xf32, #tpu.memory_space<vmem>>, vector<16xf32>,
    }
    %scan3A_49 = arith.constant 64 : i32
    "tpu.region"() ({
      %run_scoped3A = tpu.sem_alloc : memref<!tpu.dma_semaphore, #tpu.memory_space<semaphore_mem>>
      %dma_start3A = arith.constant 0 : i32
      %dma_start3A_50 = tpu.memref_slice %arg4[%mul3A_2, %dma_start3A] : memref<16384x32xf32, #tpu.memory_space<hbm>> -> memref<512x32xf32, #tpu.memory_space<hbm>>
      %dma_start3A_51 = arith.constant 0 : i32
      %dma_start3A_52 = tpu.memref_slice %arg4[%mul3A_2, %dma_start3A_51] : memref<16384x32xf32, #tpu.memory_space<hbm>> -> memref<512x32xf32, #tpu.memory_space<hbm>>
      tpu.enqueue_dma source(%arg7 : memref<512x32xf32, #tpu.memory_space<vmem>>) target(%dma_start3A_52 : memref<512x32xf32, #tpu.memory_space<hbm>>) target_semaphore(%run_scoped3A : memref<!tpu.dma_semaphore, #tpu.memory_space<semaphore_mem>>)
      %dma_wait3A = arith.constant 0 : i32
      %dma_wait3A_53 = tpu.memref_slice %arg4[%mul3A_2, %dma_wait3A] : memref<16384x32xf32, #tpu.memory_space<hbm>> -> memref<512x32xf32, #tpu.memory_space<hbm>>
      %dma_wait3A_54 = arith.constant 0 : i32
      %dma_wait3A_55 = tpu.memref_slice %arg4[%mul3A_2, %dma_wait3A_54] : memref<16384x32xf32, #tpu.memory_space<hbm>> -> memref<512x32xf32, #tpu.memory_space<hbm>>
      tpu.wait_dma2 semaphore(%run_scoped3A : memref<!tpu.dma_semaphore, #tpu.memory_space<semaphore_mem>>) src(%arg7 : memref<512x32xf32, #tpu.memory_space<vmem>>) dst(%dma_wait3A_55 : memref<512x32xf32, #tpu.memory_space<hbm>>)
      tpu.yield
    }) : () -> ()
    return
  }
}

module attributes {stable_mosaic.version = 14 : i64} {
  func.func @_mlp_body(%arg0: i32, %arg1: memref<2048x32xf32, #tpu.memory_space<vmem>>, %arg2: memref<2048x32xf32, #tpu.memory_space<vmem>>, %arg3: memref<64x32xf32, #tpu.memory_space<vmem>>, %arg4: memref<1x32xf32, #tpu.memory_space<vmem>>, %arg5: memref<32x16xf32, #tpu.memory_space<vmem>>, %arg6: memref<1x16xf32, #tpu.memory_space<vmem>>, %arg7: memref<16x1xf32, #tpu.memory_space<vmem>>, %arg8: memref<1x1xf32, #tpu.memory_space<vmem>>, %arg9: memref<2048xf32, #tpu.memory_space<vmem>>) attributes {dimension_semantics = [#tpu.dimension_semantics<arbitrary>], iteration_bounds = array<i64: 8>, scalar_prefetch = 0 : i64, scratch_operands = 0 : i64, tpu.core_type = #tpu.core_type<tc>, window_params = [{transform_indices = @transform_0, window_bounds = array<i64: 2048, 32>}, {transform_indices = @transform_1, window_bounds = array<i64: 2048, 32>}, {pipeline_mode = #tpu.pipeline_mode<synchronous>, transform_indices = @transform_2, window_bounds = array<i64: 64, 32>}, {pipeline_mode = #tpu.pipeline_mode<synchronous>, transform_indices = @transform_3, window_bounds = array<i64: 1, 32>}, {pipeline_mode = #tpu.pipeline_mode<synchronous>, transform_indices = @transform_4, window_bounds = array<i64: 32, 16>}, {pipeline_mode = #tpu.pipeline_mode<synchronous>, transform_indices = @transform_5, window_bounds = array<i64: 1, 16>}, {pipeline_mode = #tpu.pipeline_mode<synchronous>, transform_indices = @transform_6, window_bounds = array<i64: 16, 1>}, {pipeline_mode = #tpu.pipeline_mode<synchronous>, transform_indices = @transform_7, window_bounds = array<i64: 1, 1>}, {transform_indices = @transform_8, window_bounds = array<i64: 2048>}]} {
    %get3A = arith.constant 0 : index
    %get3A_0 = arith.constant 0 : index
    %get3A_1 = vector.load %arg1[%get3A, %get3A_0] : memref<2048x32xf32, #tpu.memory_space<vmem>>, vector<2048x32xf32>
    %get3A_2 = arith.constant 0 : index
    %get3A_3 = arith.constant 0 : index
    %get3A_4 = vector.load %arg3[%get3A_2, %get3A_3] : memref<64x32xf32, #tpu.memory_space<vmem>>, vector<32x32xf32>
    %dot_general3A = arith.constant dense<0.000000e+00> : vector<2048x32xf32>
    %dot_general3A_5 = tpu.matmul %get3A_1, %get3A_4, %dot_general3A {dimension_numbers = #tpu.dot_dimension_numbers<[1], [0], [0], [1], [0, 0, 1, 1], [], []>, transpose_lhs_hint = false} : vector<2048x32xf32>, vector<32x32xf32>, vector<2048x32xf32> -> vector<2048x32xf32>
    %get3A_6 = arith.constant 0 : index
    %get3A_7 = arith.constant 0 : index
    %get3A_8 = vector.load %arg2[%get3A_6, %get3A_7] : memref<2048x32xf32, #tpu.memory_space<vmem>>, vector<2048x32xf32>
    %get3A_9 = arith.constant 32 : index
    %get3A_10 = arith.constant 0 : index
    %get3A_11 = vector.load %arg3[%get3A_9, %get3A_10] : memref<64x32xf32, #tpu.memory_space<vmem>>, vector<32x32xf32>
    %dot_general3A_12 = arith.constant dense<0.000000e+00> : vector<2048x32xf32>
    %dot_general3A_13 = tpu.matmul %get3A_8, %get3A_11, %dot_general3A_12 {dimension_numbers = #tpu.dot_dimension_numbers<[1], [0], [0], [1], [0, 0, 1, 1], [], []>, transpose_lhs_hint = false} : vector<2048x32xf32>, vector<32x32xf32>, vector<2048x32xf32> -> vector<2048x32xf32>
    %add3A = arith.addf %dot_general3A_5, %dot_general3A_13 : vector<2048x32xf32>
    %get3A_14 = arith.constant 0 : index
    %get3A_15 = arith.constant 0 : index
    %get3A_16 = vector.load %arg4[%get3A_14, %get3A_15] : memref<1x32xf32, #tpu.memory_space<vmem>>, vector<1x32xf32>
    %add3A_17 = vector.broadcast %get3A_16 : vector<1x32xf32> to vector<2048x32xf32>
    %add3A_18 = arith.addf %add3A, %add3A_17 : vector<2048x32xf32>
    %max3A = arith.constant 0.000000e+00 : f32
    %max3A_19 = vector.broadcast %max3A : f32 to vector<2048x32xf32>
    %max3A_20 = arith.maximumf %add3A_18, %max3A_19 : vector<2048x32xf32>
    %get3A_21 = arith.constant 0 : index
    %get3A_22 = arith.constant 0 : index
    %get3A_23 = vector.load %arg5[%get3A_21, %get3A_22] : memref<32x16xf32, #tpu.memory_space<vmem>>, vector<32x16xf32>
    %dot_general3A_24 = arith.constant dense<0.000000e+00> : vector<2048x16xf32>
    %dot_general3A_25 = tpu.matmul %max3A_20, %get3A_23, %dot_general3A_24 {dimension_numbers = #tpu.dot_dimension_numbers<[1], [0], [0], [1], [0, 0, 1, 1], [], []>, transpose_lhs_hint = false} : vector<2048x32xf32>, vector<32x16xf32>, vector<2048x16xf32> -> vector<2048x16xf32>
    %get3A_26 = arith.constant 0 : index
    %get3A_27 = arith.constant 0 : index
    %get3A_28 = vector.load %arg6[%get3A_26, %get3A_27] : memref<1x16xf32, #tpu.memory_space<vmem>>, vector<1x16xf32>
    %add3A_29 = vector.broadcast %get3A_28 : vector<1x16xf32> to vector<2048x16xf32>
    %add3A_30 = arith.addf %dot_general3A_25, %add3A_29 : vector<2048x16xf32>
    %max3A_31 = arith.constant 0.000000e+00 : f32
    %max3A_32 = vector.broadcast %max3A_31 : f32 to vector<2048x16xf32>
    %max3A_33 = arith.maximumf %add3A_30, %max3A_32 : vector<2048x16xf32>
    %get3A_34 = arith.constant 0 : index
    %get3A_35 = arith.constant 0 : index
    %get3A_36 = vector.load %arg7[%get3A_34, %get3A_35] : memref<16x1xf32, #tpu.memory_space<vmem>>, vector<16x1xf32>
    %dot_general3A_37 = arith.constant dense<0.000000e+00> : vector<2048x1xf32>
    %dot_general3A_38 = tpu.matmul %max3A_33, %get3A_36, %dot_general3A_37 {dimension_numbers = #tpu.dot_dimension_numbers<[1], [0], [0], [1], [0, 0, 1, 1], [], []>, transpose_lhs_hint = false} : vector<2048x16xf32>, vector<16x1xf32>, vector<2048x1xf32> -> vector<2048x1xf32>
    %get3A_39 = arith.constant 0 : index
    %get3A_40 = arith.constant 0 : index
    %get3A_41 = vector.load %arg8[%get3A_39, %get3A_40] : memref<1x1xf32, #tpu.memory_space<vmem>>, vector<1x1xf32>
    %add3A_42 = vector.broadcast %get3A_41 : vector<1x1xf32> to vector<2048x1xf32>
    %add3A_43 = arith.addf %dot_general3A_38, %add3A_42 : vector<2048x1xf32>
    %squeeze3A = vector.shape_cast %add3A_43 : vector<2048x1xf32> to vector<2048xf32>
    %swap3A = arith.constant 0 : index
    %swap3A_44 = vector.load %arg9[%swap3A] : memref<2048xf32, #tpu.memory_space<vmem>>, vector<2048xf32>
    tpu.vector_store %arg9[%swap3A], %squeeze3A {strides = array<i32>} : memref<2048xf32, #tpu.memory_space<vmem>>, vector<2048xf32>,
    return
  }
  func.func @transform_0(%arg0: i32) -> (i32, i32) {
    %c0_i32 = arith.constant 0 : i32
    %c0_i32_0 = arith.constant 0 : i32
    return %arg0, %c0_i32 : i32, i32
  }
  func.func @transform_1(%arg0: i32) -> (i32, i32) {
    %c0_i32 = arith.constant 0 : i32
    %c0_i32_0 = arith.constant 0 : i32
    return %arg0, %c0_i32 : i32, i32
  }
  func.func @transform_2(%arg0: i32) -> (i32, i32) {
    %c0_i32 = arith.constant 0 : i32
    %c0_i32_0 = arith.constant 0 : i32
    %c0_i32_1 = arith.constant 0 : i32
    return %c0_i32, %c0_i32_0 : i32, i32
  }
  func.func @transform_3(%arg0: i32) -> (i32, i32) {
    %c0_i32 = arith.constant 0 : i32
    %c0_i32_0 = arith.constant 0 : i32
    %c0_i32_1 = arith.constant 0 : i32
    return %c0_i32, %c0_i32_0 : i32, i32
  }
  func.func @transform_4(%arg0: i32) -> (i32, i32) {
    %c0_i32 = arith.constant 0 : i32
    %c0_i32_0 = arith.constant 0 : i32
    %c0_i32_1 = arith.constant 0 : i32
    return %c0_i32, %c0_i32_0 : i32, i32
  }
  func.func @transform_5(%arg0: i32) -> (i32, i32) {
    %c0_i32 = arith.constant 0 : i32
    %c0_i32_0 = arith.constant 0 : i32
    %c0_i32_1 = arith.constant 0 : i32
    return %c0_i32, %c0_i32_0 : i32, i32
  }
  func.func @transform_6(%arg0: i32) -> (i32, i32) {
    %c0_i32 = arith.constant 0 : i32
    %c0_i32_0 = arith.constant 0 : i32
    %c0_i32_1 = arith.constant 0 : i32
    return %c0_i32, %c0_i32_0 : i32, i32
  }
  func.func @transform_7(%arg0: i32) -> (i32, i32) {
    %c0_i32 = arith.constant 0 : i32
    %c0_i32_0 = arith.constant 0 : i32
    %c0_i32_1 = arith.constant 0 : i32
    return %c0_i32, %c0_i32_0 : i32, i32
  }
  func.func @transform_8(%arg0: i32) -> i32 {
    %c0_i32 = arith.constant 0 : i32
    return %arg0 : i32
  }
}

</mosaic_0001>

<sc_bundles>
// kernel: kernel.5.cloned.1.call-start
scs
__scs_entry_jumppad:
0x0: {  	(pc) =	sbr.rel $0x88, $3  }
0x1: {  	(tag) =	ssettag $0x0;
	lr =	simm.s32 $0x1  }
0x2: {  	[smem:$0x3F97] =	sst lr;
	_ =	strace $0xD0000000  }
0x3: {  	_ = 	snop  }
0x4: {  	_ = 	snop  }
0x5: {  	_ = 	snop  }
0x6: {  	_ = 	snop  }
0x7: {  	_ = 	snop  }
__scs_overlays_trampoline_lowered:
0x8: {  	[smem:$0x3FA6] =	sst s0  }
0x9: {  	[smem:$0x3FA7] =	sst s1  }
0xa: {  	[smem:$0x3FA8] =	sst s2  }
0xb: {  	[smem:$0x3FA9] =	sst s3  }
0xc: {  	[smem:$0x3FAA] =	sst s4  }
0xd: {  	[smem:$0x3FAB] =	sst s5  }
0xe: {  	[smem:$0x3FAC] =	sst s6  }
0xf: {  	[smem:$0x3FAD] =	sst s7  }
0x10: {  	[smem:$0x3FAE] =	sst s8  }
0x11: {  	[smem:$0x3FAF] =	sst s9;
	s0 =	simm.s32 @!p0 $0x0  }
0x12: {  	s1 =	sld [smem:$0x3F95];
	s0 =	simm.s32 @p0 $0x1  }
0x13: {  	[smem:$0x3FB0] =	sst s0;
	s0 =	simm.s32 @!p1 $0x0  }
0x14: {  	s2 =	sld [smem:$0x3F94];
	s0 =	simm.s32 @p1 $0x1  }
0x15: {  	[smem:$0x3FB1] =	sst s0;
	s0 =	simm.s32 @!p2 $0x0  }
0x16: {  	s3 =	sld [smem:$0x3FDB];
	s0 =	simm.s32 @p2 $0x1  }
0x17: {  	s4 =	simm.s32 $0x1BF5;
	[smem:$0x3FB3] =	sst s0  }
0x18: {  	s0 =	sld [smem:$0x3F96];
	_ =	swait.ge [sflag:s4], $0x0  }
0x19: {  	s7 =	sld [smem:$0x3F97]  }
0x1a: {  	s8 =	sadd.s32 $0xFFFFE003, lr  }
0x1b: {  	s9 =	sadd.s32 $0xFFFFFEF7, lr;
	s5 =	simm.s32 $0xFFFFFFFF;
	p2 =	slt.u32 s8, $0xFFFFF086  }
0x1c: {  	p1 =	slt.u32 s9, $0xF7A;
	s5 =	simm.s32 @!p2 $0x0  }
0x1d: {  	s5 =	simm.s32 @p1 $0x1;
	p0 =	seq.s32 s7, s2  }
0x1e: {  	s7 =	smul.u32 @!p0 $0xF7A, s2;
	p2 =	seq.s32 @!p0 s5, $0x0  }
0x1f: {  	s9 =	smul.u32 $0xF7A, s1;
	s8 =	simm.s32 @!p0 $0x1BF5;
	p2 =	por !p2, p0  }
0x20: {  	[sflag:s8] =	ssyncset.s32 @!p0 $0xFFFFF086;
	s6 =	sadd.s32 @!p0 s3, s7;
	s7 =	simm.s32 @!p0 $0x108  }
0x21: {  	s3 =	sadd.s32 s3, s9;
	s6 =	sadd.s32 @!p0 $0x88, s6;
	s7 =	simm.s32 @p2 $0x1082  }
0x22: {  	[simem:s7], [sflag:s8] =	dma.local @!p0 [hbm:s6], $0xF7A  }
0x23: {  	s9 =	sor.u32 $0xD0000000, s2;
	s6 =	simm.s32 $0x108;
	_ =	swait.ge @!p0 [sflag:s8], $0x0  }
0x24: {  	s3 =	sadd.s32 $0x88, s3;
	s6 =	simm.s32 @!p1 $0x1082;
	[sflag:s4] =	ssyncset.s32 $0xFFFFF086  }
0x25: {  	[simem:s6], [sflag:s4] =	dma.local [hbm:s3], $0xF7A  }
0x26: {  	[smem:$0x3F97] =	sst s1;
	(tag) =	ssettag s2;
	_ =	strace s9  }
0x27: {  	s1 =	sld [smem:$0x3FA7]  }
0x28: {  	s2 =	sld [smem:$0x3FA8]  }
0x29: {  	s4 =	sld [smem:$0x3FAA]  }
0x2a: {  	p0 =	seq.s32 s5, $0x0;
	s5 =	sld [smem:$0x3FAB]  }
0x2b: {  	s6 =	sld [smem:$0x3FAC]  }
0x2c: {  	s7 =	sld [smem:$0x3FAD]  }
0x2d: {  	s3 =	simm.s32 $0x108;
	s8 =	sld [smem:$0x3FAE]  }
0x2e: {  	s3 =	simm.s32 @!p0 $0x1082;
	s9 =	sld [smem:$0x3FAF]  }
0x2f: {  	lr =	sadd.s32 s0, s3;
	s0 =	sld [smem:$0x3FA6]  }
0x30: {  	s3 =	sld [smem:$0x3FA9]  }
0x31: {  	[smem:$0x3FB2] =	sst s10  }
0x32: {  	s10 =	sld [smem:$0x3FB0];
	_ =	sdelay $0x3  }
0x33: {  	p0 =	seq.s32 s10, $0x1;
	s10 =	sld [smem:$0x3FB2];
	_ =	sdelay $0x3  }
0x34: {  	[smem:$0x3FB2] =	sst s10  }
0x35: {  	s10 =	sld [smem:$0x3FB1];
	_ =	sdelay $0x3  }
0x36: {  	p1 =	seq.s32 s10, $0x1;
	s10 =	sld [smem:$0x3FB2];
	_ =	sdelay $0x3  }
0x37: {  	[smem:$0x3FB2] =	sst s10  }
0x38: {  	s10 =	sld [smem:$0x3FB3]  }
0x39: {  	_ = 	snop;
	(pc) =	sbr.ind lr, $3  }
0x3a: {  	_ = 	snop  }
0x3b: {  	_ = 	snop  }
0x3c: {  	p2 =	seq.s32 s10, $0x1;
	s10 =	sld [smem:$0x3FB2]  }
0x3d: {  	_ =	shalt  }
0x3e: {  	_ =	shalt  }
0x3f: {  	_ =	shalt  }
0x40: {  	_ =	shalt  }
0x41: {  	_ =	shalt  }
0x42: {  	_ =	shalt  }
0x43: {  	_ =	shalt  }
0x44: {  	_ =	shalt  }
0x45: {  	_ =	shalt  }
0x46: {  	_ =	shalt  }
0x47: {  	_ =	shalt  }
0x48: {  	_ =	shalt  }
0x49: {  	_ =	shalt  }
0x4a: {  	_ =	shalt  }
0x4b: {  	_ =	shalt  }
0x4c: {  	_ =	shalt  }
0x4d: {  	_ =	shalt  }
0x4e: {  	_ =	shalt  }
0x4f: {  	_ =	shalt  }
0x50: {  	_ =	shalt  }
0x51: {  	_ =	shalt  }
0x52: {  	_ =	shalt  }
0x53: {  	_ =	shalt  }
0x54: {  	_ =	shalt  }
0x55: {  	_ =	shalt  }
0x56: {  	_ =	shalt  }
0x57: {  	_ =	shalt  }
0x58: {  	_ =	shalt  }
0x59: {  	_ =	shalt  }
0x5a: {  	_ =	shalt  }
0x5b: {  	_ =	shalt  }
0x5c: {  	_ =	shalt  }
0x5d: {  	_ =	shalt  }
0x5e: {  	_ =	shalt  }
0x5f: {  	_ =	shalt  }
0x60: {  	_ =	shalt  }
0x61: {  	_ =	shalt  }
0x62: {  	_ =	shalt  }
0x63: {  	_ =	shalt  }
0x64: {  	_ =	shalt  }
0x65: {  	_ =	shalt  }
0x66: {  	_ =	shalt  }
0x67: {  	_ =	shalt  }
0x68: {  	_ =	shalt  }
0x69: {  	_ =	shalt  }
0x6a: {  	_ =	shalt  }
0x6b: {  	_ =	shalt  }
0x6c: {  	_ =	shalt  }
0x6d: {  	_ =	shalt  }
0x6e: {  	_ =	shalt  }
0x6f: {  	_ =	shalt  }
0x70: {  	_ =	shalt  }
0x71: {  	_ =	shalt  }
0x72: {  	_ =	shalt  }
0x73: {  	_ =	shalt  }
0x74: {  	_ =	shalt  }
0x75: {  	_ =	shalt  }
0x76: {  	_ =	shalt  }
0x77: {  	_ =	shalt  }
0x78: {  	_ =	shalt  }
0x79: {  	_ =	shalt  }
0x7a: {  	_ =	shalt  }
0x7b: {  	_ =	shalt  }
0x7c: {  	_ =	shalt  }
0x7d: {  	_ =	shalt  }
0x7e: {  	_ =	shalt  }
0x7f: {  	_ =	shalt  }
0x80: {  	_ =	shalt  }
0x81: {  	_ =	shalt  }
0x82: {  	_ =	shalt  }
0x83: {  	_ =	shalt  }
0x84: {  	_ =	shalt  }
0x85: {  	_ =	shalt  }
0x86: {  	_ =	shalt  }
0x87: {  	_ =	shalt  }
.Lfunc_end0:
.L_simem_size_0:
called_computation_lowered:
.L_overlay_start_0:
0x88: {  	s2 =	sld [smem:$0x3FD9]  }
0x89: {  	s3 =	sld [smem:$0x3FFE];
	_ =	sdelay $0x1  }
0x8a: {  	s1 =	srdreg.scid  }
0x8b: {  	s0 =	sand.u32 $0x1, s1  }
0x8c: {  	s17 =	sshll.u32 s0, $0xA;
	s2 =	sadd.s32 s3, s2  }
0x8d: {  	s2 =	sadd.s32 s2, s17  }
0x8e: {  	[smem:$0x3FBE] =	sst s2  }
0x8f: {  	_ = 	snop  }
0x90: {  	s2 =	sld [smem:$0x3FC9]  }
0x91: {  	s18 =	sld [smem:$0x3FC7];
	(tm) =	ssettm $0x1  }
0x92: {  	s4 =	sld [smem:$0x3FFB];
	_ =	sdelay $0x3  }
0x93: {  	_ =	strace s4  }
0x94: {  	s4 =	sld [smem:$0x3FFC];
	_ =	sdelay $0x3  }
0x95: {  	_ =	strace s4  }
0x96: {  	s4 =	sld [smem:$0x3FFD];
	_ =	sdelay $0x3  }
0x97: {  	_ =	strace s4  }
0x98: {  	_ =	strace $0x8FFFFFFF  }
0x99: {  	s19 =	sld [smem:$0x3FDB];
	_ =	sdelay $0x1  }
0x9a: {  	s5 =	simm.s32 $_scs_section_size  }
0x9b: {  	s6 =	simm.s32 $_size__tile_overlayer_lowered;
	s7 =	simm.s32 $_tile_overlayer_lowered  }
0x9c: {  	s22 =	simm.s32 $0x1BFF;
	s21 =	sshll.u32 s7, $0x1;
	s4 =	sadd.s32 s5, s19  }
0x9d: {  	s8 =	simm.s32 $0x0;
	s20 =	sshll.u32 s6, $0x1;
	s6 =	sadd.s32 s21, s4  }
0x9e: {  	[timem:s8], [sflag:s22] =	dma.local [hbm:s6], s20  }
0x9f: {  	_ =	swait.ge [sflag:s22], s20  }
0xa0: {  	s5 =	ssub.s32 $0x0, s20;
	[sflag:s22] =	ssyncset.done $0x0  }
0xa1: {  	[sflag:s22] =	ssyncadd.s32 s5;
	_ =	sdelay $0x1  }
0xa2: {  	s23 =	simm.s32 $0x1B8B  }
0xa3: {  	_ =	swait.ge [sflag:s23], $0x1  }
0xa4: {  	[sflag:s23] =	ssyncset.done $0x0  }
0xa5: {  	s25 =	simm.s32 $0x1B8E;
	s24 =	sld [smem:$0x3FFE];
	[sflag:s23] =	ssyncadd.s32 $0xFFFFFFFF  }
0xa6: {  	s26 =	simm.s32 $execute0_lowered;
	[smem:$0x3FD2] =	sst s25  }
0xa7: {  	s6 =	sshll.u32 s26, $0x1;
	_ =	strace $0x80000046;
	[dreg:$0x1] =	wrdreg $0xFFFFFFFF  }
0xa8: {  	s28 =	simm.s32 $_size_execute0_lowered;
	s4 =	sadd.s32 s4, s6;
	[dreg:$0x0] =	wrdreg $0x0  }
0xa9: {  	s6 =	sshll.u32 s28, $0x1;
	[dreg:$0x2] =	wrdreg s4  }
0xaa: {  	[dreg:$0x3] =	wrdreg s6  }
0xab: {  	[dreg:$0x4] =	wrdreg $0xC0  }
0xac: {  	_ =	task [dreg:s8], $0x5FFFF  }
0xad: {  	[dreg:$0x1] =	wrdreg $0xFFFFFFFF  }
0xae: {  	[dreg:$0x0] =	wrdreg $0x60  }
0xaf: {  	[dreg:$0x2] =	wrdreg s18  }
0xb0: {  	[dreg:$0x3] =	wrdreg s2  }
0xb1: {  	[dreg:$0x4] =	wrdreg s24  }
0xb2: {  	[dreg:$0x5] =	wrdreg $0x9  }
0xb3: {  	_ =	task.clear_ibuf [dreg:s8], $0x6FFFF;
	_ =	strace $0x90000046  }
0xb4: {  	s29 =	simm.s32 $0x9;
	_ =	strace $0x80000048  }
0xb5: {  	_ =	swait.ge [sflag:s29], $0x1  }
0xb6: {  	[sflag:s29] =	ssyncadd.s32 $0xFFFFFFFF  }
0xb7: {  	_ =	strace $0x90000048  }
0xb8: {  	_ =	sfence  }
0xb9: {  	s30 =	sld [smem:$0x0];
	_ =	sdelay $0x2  }
0xba: {  	s31 =	sshll.u32 s1, $0xD;
	s1 =	sshrl.u32 s1, $0x2  }
0xbb: {  	s3 =	sand.u32 $0x4000, s31;
	s1 =	sadd.s32 s1, s30  }
0xbc: {  	s0 =	sor.u32 s3, s0;
	s1 =	sshll.u32 s1, $0x11  }
0xbd: {  	s0 =	sor.u32 s1, s0  }
0xbe: {  	s0 =	sadd.s32 $0x8F2B, s0  }
0xbf: {  	[sflag:s0] =	ssyncadd.remote.s32 $0x1  }
0xc0: {  	_ =	sfence.sel $0xFFFF  }
0xc1: {  	[dreg:$0x0] =	wrdreg $0xFFFFFFFF;
	(pc) =	sbr.abs _section_cstart, $3  }
0xc2: {  	[dreg:$0x1] =	wrdreg $0xFFFFFFFF  }
0xc3: {  	_ =	task.clear_ibuf [dreg:s8], $0x2FFFF;
	_ =	strace $0x9FFFFFFF  }
0xc4: {  	(tm) =	ssettm $0x7FFFFFFF  }
0xc5: {  	_ =	shalt  }
tec
execute0_lowered:
.L_overlay_start_1:
0x0: {  	(tag) =	ssettag $0x1  }
0x1: {  	s1 =	rddreg [dreg:$0x0]  }
0x2: {  	s4 =	rddreg [dreg:$0x1]  }
0x3: {  	s5 =	rddreg [dreg:$0x2]  }
0x4: {  	s3 =	srdreg.scid;
	s0 =	stileid.u32  }
0x5: {  	s2 =	simm.s32 $0x0;
	s9 =	simm.s32 $0x7A1400;
	s10 =	simm.s32 $0x280  }
0x6: {  	s11 =	simm.s32 $0x1280;
	s12 =	simm.s32 $0x2280;
	s13 =	simm.s32 $0x3280  }
0x7: {  	s14 =	simm.s32 $0x4280;
	s15 =	simm.s32 $0x5280;
	s16 =	simm.s32 $0x6280  }
0x8: {  	s17 =	simm.s32 $0x7280;
	s18 =	simm.s32 $0x1;
	s6 =	sand.u32 $0x1, s3  }
0x9: {  	s20 =	simm.s32 $0x0;
	s7 =	sshll.u32 s0, $0xA;
	s8 =	sshll.u32 s6, $0x9  }
0xa: {  	[smem:$0x7FF] =	sst s2;
	s6 =	ssub.s32 $0x2, s6;
	s7 =	sor.u32 s8, s7  }
0xb: {  	v0 =	vlaneseq.u32;
	_ =	strace $0x80000047;
	s30 =	sshrl.u32 s6, $0x1;
	s8 =	sshll.u32 s7, $0x4  }
0xc: {  	v0 =	vmul.u32 $0x80, v0;
	s7 =	sshrl.u32 s7, $0x3;
	s6 =	ssub.s32 s6, s30;
	s5 =	sadd.s32 s8, s5  }
0xd: {  	s31 =	sadd.s32 s4, s7;
	s6 =	smax.u32 s6, $0x1;
	s7 =	simm.s32 $0x2  }
0xe: {  	v1 =	vor.u32 $0x800, v0;
	s8 =	simm.s32 $0x400;
	[dreg:$0x4] =	wrdreg s31;
	s5 =	sadd.s32 $0x1600, s5  }
.LBB2_1:
0xf: {  	s0 =	rddreg [dreg:$0x4]  }
0x10: {  	[tilespmem:s2], [sflag:$0x2] =	stream.linear.gather [hbm4b:s0+s2], $0x200, $0x38;
	[tilespmem:$0x18280] =	vst v63  }
0x11: {  	_ =	swait.ge [sflag:s7], $0x200  }
0x12: {  	[sflag:s7] =	ssyncset.done $0x0  }
0x13: {  	s21 =	simm.s32 $0x0;
	[sflag:s7] =	ssyncadd.s32 $0xFFFFFE00  }
0x14: {  	v2 =	vld [tilespmem:s21+$0x0];
	_ =	sdelay $0x4  }
0x15: {  	(v2sf) =	vpush v2, $0x0  }
0x16: {  	(v2sf) =	vpush v2, $0x1  }
0x17: {  	(v2sf) =	vpush v2, $0x2;
	_ =	sdelay $0x1  }
0x18: {  	(v2sf) =	vpush v2, $0x3;
	_ =	sdelay $0x1  }
0x19: {  	(v2sf) =	vpush v2, $0x4;
	_ =	sdelay $0x1  }
0x1a: {  	(v2sf) =	vpush v2, $0x5;
	_ =	sdelay $0x1  }
0x1b: {  	(v2sf) =	vpush v2, $0x6;
	_ =	sdelay $0x1  }
0x1c: {  	(v2sf) =	vpush v2, $0x7;
	_ =	sdelay $0x2  }
0x1d: {  	s21 =	spop (v2sf)  }
0x1e: {  	s22 =	sand.u32 $0xFFFFF80, s21;
	s25 =	spop (v2sf)  }
0x1f: {  	s22 =	sadd.s32 s1, s22;
	s23 =	sand.u32 $0xFFFFF80, s25;
	s26 =	spop (v2sf)  }
0x20: {  	[tilespmem:s10], [sflag:$0x1] =	stream.strided.gather [hbm4b:s22+s8], $0x1000, s9, s8, $0x38;
	[tilespmem:$0x18280] =	vst v63  }
0x21: {  	s2 =	sadd.s32 s1, s23;
	s3 =	sand.u32 $0xFFFFF80, s26;
	s28 =	spop (v2sf)  }
0x22: {  	[tilespmem:s11], [sflag:$0x1] =	stream.strided.gather [hbm4b:s2+s8], $0x1000, s9, s8, $0x38;
	[tilespmem:$0x18280] =	vst v63  }
0x23: {  	s4 =	sadd.s32 s1, s3;
	s19 =	sand.u32 $0xFFFFF80, s28;
	s29 =	spop (v2sf)  }
0x24: {  	[tilespmem:s12], [sflag:$0x1] =	stream.strided.gather [hbm4b:s4+s8], $0x1000, s9, s8, $0x38;
	[tilespmem:$0x18280] =	vst v63  }
0x25: {  	s23 =	sadd.s32 s1, s19;
	s30 =	sand.u32 $0xFFFFF80, s29;
	s24 =	spop (v2sf)  }
0x26: {  	[tilespmem:s13], [sflag:$0x1] =	stream.strided.gather [hbm4b:s23+s8], $0x1000, s9, s8, $0x38;
	[tilespmem:$0x18280] =	vst v63  }
0x27: {  	s31 =	sadd.s32 s1, s30;
	s30 =	sand.u32 $0xFFFFF80, s24;
	s0 =	spop (v2sf)  }
0x28: {  	[tilespmem:s14], [sflag:$0x1] =	stream.strided.gather [hbm4b:s31+s8], $0x1000, s9, s8, $0x38;
	[tilespmem:$0x18280] =	vst v63  }
0x29: {  	s2 =	sadd.s32 s1, s30;
	s3 =	sand.u32 $0xFFFFF80, s0;
	s4 =	spop (v2sf)  }
0x2a: {  	[tilespmem:s15], [sflag:$0x1] =	stream.strided.gather [hbm4b:s2+s8], $0x1000, s9, s8, $0x38;
	[tilespmem:$0x18280] =	vst v63  }
0x2b: {  	s21 =	sand.u32 $0x7F, s21;
	s30 =	sadd.s32 s1, s3;
	s19 =	sand.u32 $0xFFFFF80, s4  }
0x2c: {  	[tilespmem:s16], [sflag:$0x1] =	stream.strided.gather [hbm4b:s30+s8], $0x1000, s9, s8, $0x38;
	[tilespmem:$0x18280] =	vst v63  }
0x2d: {  	v2 =	vor.u32 s21, v0;
	s30 =	sadd.s32 s1, s19  }
0x2e: {  	v3 =	vor.u32 s21, v1;
	[tilespmem:s17], [sflag:$0x1] =	stream.strided.gather [hbm4b:s30+s8], $0x1000, s9, s8, $0x38;
	[tilespmem:$0x18280] =	vst v63  }
0x2f: {  	_ =	swait.ge [sflag:s18], $0x1000  }
0x30: {  	[sflag:s18] =	ssyncset.done $0x0  }
0x31: {  	[sflag:s18] =	ssyncadd.s32 $0xFFFFF000  }
0x32: {  	v2 =	vld.idx.msk [tilespmem:v2+s10+$0x0], $0xffff  }
0x33: {  	v3 =	vld.idx.msk [tilespmem:v3+s10+$0x0], $0xffff;
	_ =	sdelay $0x2  }
0x34: {  	s21 =	simm.s32 $0x8480;
	s25 =	sand.u32 $0x7F, s25  }
0x35: {  	v4 =	vor.u32 s25, v1;
	[tilespmem:s21+$0xFFFFFE00] =	vst v2  }
0x36: {  	v2 =	vor.u32 s25, v0;
	[tilespmem:s21+$0xFFFFFE10] =	vst v3  }
0x37: {  	_ =	swait.ge [sflag:s18], $0x1000  }
0x38: {  	[sflag:s18] =	ssyncset.done $0x0  }
0x39: {  	[sflag:s18] =	ssyncadd.s32 $0xFFFFF000  }
0x3a: {  	v3 =	vld.idx.msk [tilespmem:v4+s11+$0x0], $0xffff  }
0x3b: {  	v2 =	vld.idx.msk [tilespmem:v2+s11+$0x0], $0xffff;
	_ =	sdelay $0x2  }
0x3c: {  	s26 =	sand.u32 $0x7F, s26  }
0x3d: {  	v4 =	vor.u32 s26, v1;
	[tilespmem:s21+$0xFFFFFE90] =	vst v3  }
0x3e: {  	[tilespmem:s21+$0xFFFFFE80] =	vst v2;
	v2 =	vor.u32 s26, v0  }
0x3f: {  	_ =	swait.ge [sflag:s18], $0x1000  }
0x40: {  	[sflag:s18] =	ssyncset.done $0x0  }
0x41: {  	[sflag:s18] =	ssyncadd.s32 $0xFFFFF000  }
0x42: {  	v3 =	vld.idx.msk [tilespmem:v4+s12+$0x0], $0xffff  }
0x43: {  	v2 =	vld.idx.msk [tilespmem:v2+s12+$0x0], $0xffff;
	_ =	sdelay $0x2  }
0x44: {  	s30 =	sand.u32 $0x7F, s28  }
0x45: {  	v4 =	vor.u32 s30, v1;
	[tilespmem:s21+$0xFFFFFF10] =	vst v3  }
0x46: {  	[tilespmem:s21+$0xFFFFFF00] =	vst v2;
	v2 =	vor.u32 s30, v0  }
0x47: {  	_ =	swait.ge [sflag:s18], $0x1000  }
0x48: {  	[sflag:s18] =	ssyncset.done $0x0  }
0x49: {  	[sflag:s18] =	ssyncadd.s32 $0xFFFFF000  }
0x4a: {  	v3 =	vld.idx.msk [tilespmem:v4+s13+$0x0], $0xffff  }
0x4b: {  	v2 =	vld.idx.msk [tilespmem:v2+s13+$0x0], $0xffff;
	_ =	sdelay $0x2  }
0x4c: {  	s31 =	sand.u32 $0x7F, s29  }
0x4d: {  	v4 =	vor.u32 s31, v1;
	[tilespmem:s21+$0xFFFFFF90] =	vst v3  }
0x4e: {  	[tilespmem:s21+$0xFFFFFF80] =	vst v2;
	v2 =	vor.u32 s31, v0  }
0x4f: {  	_ =	swait.ge [sflag:s18], $0x1000  }
0x50: {  	[sflag:s18] =	ssyncset.done $0x0  }
0x51: {  	[sflag:s18] =	ssyncadd.s32 $0xFFFFF000  }
0x52: {  	v3 =	vld.idx.msk [tilespmem:v4+s14+$0x0], $0xffff  }
0x53: {  	v2 =	vld.idx.msk [tilespmem:v2+s14+$0x0], $0xffff;
	_ =	sdelay $0x2  }
0x54: {  	s24 =	sand.u32 $0x7F, s24  }
0x55: {  	v4 =	vor.u32 s24, v1;
	[tilespmem:s21+$0x10] =	vst v3  }
0x56: {  	[tilespmem:s21+$0x0] =	vst v2;
	v2 =	vor.u32 s24, v0  }
0x57: {  	_ =	swait.ge [sflag:s18], $0x1000  }
0x58: {  	[sflag:s18] =	ssyncset.done $0x0  }
0x59: {  	[sflag:s18] =	ssyncadd.s32 $0xFFFFF000  }
0x5a: {  	v3 =	vld.idx.msk [tilespmem:v4+s15+$0x0], $0xffff  }
0x5b: {  	v2 =	vld.idx.msk [tilespmem:v2+s15+$0x0], $0xffff;
	_ =	sdelay $0x2  }
0x5c: {  	s23 =	sand.u32 $0x7F, s0  }
0x5d: {  	v4 =	vor.u32 s23, v1;
	[tilespmem:s21+$0x90] =	vst v3  }
0x5e: {  	[tilespmem:s21+$0x80] =	vst v2;
	v2 =	vor.u32 s23, v0  }
0x5f: {  	_ =	swait.ge [sflag:s18], $0x1000  }
0x60: {  	[sflag:s18] =	ssyncset.done $0x0  }
0x61: {  	[sflag:s18] =	ssyncadd.s32 $0xFFFFF000  }
0x62: {  	v3 =	vld.idx.msk [tilespmem:v4+s16+$0x0], $0xffff  }
0x63: {  	v2 =	vld.idx.msk [tilespmem:v2+s16+$0x0], $0xffff;
	_ =	sdelay $0x2  }
0x64: {  	s22 =	sand.u32 $0x7F, s4  }
0x65: {  	[tilespmem:s21+$0x110] =	vst v3;
	v3 =	vor.u32 s22, v0  }
0x66: {  	[tilespmem:s21+$0x100] =	vst v2;
	v2 =	vor.u32 s22, v1  }
0x67: {  	_ =	swait.ge [sflag:s18], $0x1000  }
0x68: {  	s23 =	simm.s32 $0x20;
	s22 =	simm.s32 $0x8480;
	[sflag:s18] =	ssyncset.done $0x0  }
.LBB2_2:
0x69: {  	p0 =	sne.s32 s23, $0x7E0;
	[sflag:s18] =	ssyncadd.s32 $0xFFFFF000;
	s21 =	sadd.s32 $0x400, s21  }
0x6a: {  	s24 =	smov.u32 s23;
	s23 =	sadd.s32 $0x20, s23;
	v3 =	vld.idx.msk [tilespmem:v3+s17+$0x0], $0xffff  }
0x6b: {  	v2 =	vld.idx.msk [tilespmem:v2+s17+$0x0], $0xffff;
	_ =	sdelay $0x4  }
0x6c: {  	[tilespmem:s22+$0x180] =	vst v3  }
0x6d: {  	s24 =	sshra.s32 s24, $0x2;
	[tilespmem:s22+$0x190] =	vst v2;
	s22 =	smov.u32 s21  }
0x6e: {  	v2 =	vld [tilespmem:s24+$0x0];
	_ =	sdelay $0x4  }
0x6f: {  	(v2sf) =	vpush v2, $0x0  }
0x70: {  	(v2sf) =	vpush v2, $0x1  }
0x71: {  	(v2sf) =	vpush v2, $0x2;
	_ =	sdelay $0x1  }
0x72: {  	(v2sf) =	vpush v2, $0x3;
	_ =	sdelay $0x1  }
0x73: {  	(v2sf) =	vpush v2, $0x4;
	_ =	sdelay $0x1  }
0x74: {  	(v2sf) =	vpush v2, $0x5;
	_ =	sdelay $0x1  }
0x75: {  	(v2sf) =	vpush v2, $0x6;
	_ =	sdelay $0x1  }
0x76: {  	(v2sf) =	vpush v2, $0x7;
	_ =	sdelay $0x2  }
0x77: {  	s24 =	spop (v2sf)  }
0x78: {  	s25 =	sand.u32 $0xFFFFF80, s24;
	s24 =	sand.u32 $0x7F, s24;
	s26 =	spop (v2sf)  }
0x79: {  	s25 =	sadd.s32 s1, s25;
	s28 =	sand.u32 $0xFFFFF80, s26;
	s29 =	spop (v2sf)  }
0x7a: {  	[tilespmem:s10], [sflag:$0x1] =	stream.strided.gather [hbm4b:s25+s8], $0x1000, s9, s8, $0x38;
	[tilespmem:$0x18280] =	vst v63  }
0x7b: {  	s25 =	sadd.s32 s1, s28;
	s28 =	sand.u32 $0xFFFFF80, s29;
	s30 =	spop (v2sf)  }
0x7c: {  	[tilespmem:s11], [sflag:$0x1] =	stream.strided.gather [hbm4b:s25+s8], $0x1000, s9, s8, $0x38;
	[tilespmem:$0x18280] =	vst v63  }
0x7d: {  	s25 =	sadd.s32 s1, s28;
	s28 =	sand.u32 $0xFFFFF80, s30;
	s31 =	spop (v2sf)  }
0x7e: {  	[tilespmem:s12], [sflag:$0x1] =	stream.strided.gather [hbm4b:s25+s8], $0x1000, s9, s8, $0x38;
	[tilespmem:$0x18280] =	vst v63  }
0x7f: {  	s25 =	sadd.s32 s1, s28;
	s28 =	sand.u32 $0xFFFFF80, s31;
	s0 =	spop (v2sf)  }
0x80: {  	[tilespmem:s13], [sflag:$0x1] =	stream.strided.gather [hbm4b:s25+s8], $0x1000, s9, s8, $0x38;
	[tilespmem:$0x18280] =	vst v63  }
0x81: {  	s25 =	sadd.s32 s1, s28;
	s28 =	sand.u32 $0xFFFFF80, s0;
	s2 =	spop (v2sf)  }
0x82: {  	[tilespmem:s14], [sflag:$0x1] =	stream.strided.gather [hbm4b:s25+s8], $0x1000, s9, s8, $0x38;
	[tilespmem:$0x18280] =	vst v63  }
0x83: {  	s25 =	sadd.s32 s1, s28;
	s28 =	sand.u32 $0xFFFFF80, s2;
	s19 =	spop (v2sf)  }
0x84: {  	[tilespmem:s15], [sflag:$0x1] =	stream.strided.gather [hbm4b:s25+s8], $0x1000, s9, s8, $0x38;
	[tilespmem:$0x18280] =	vst v63  }
0x85: {  	s3 =	sand.u32 $0x7F, s26;
	s25 =	sadd.s32 s1, s28;
	s28 =	sand.u32 $0xFFFFF80, s19  }
0x86: {  	[tilespmem:s16], [sflag:$0x1] =	stream.strided.gather [hbm4b:s25+s8], $0x1000, s9, s8, $0x38;
	[tilespmem:$0x18280] =	vst v63  }
0x87: {  	v2 =	vor.u32 s24, v0;
	v3 =	vor.u32 s24, v1;
	s4 =	sand.u32 $0x7F, s29;
	s29 =	sand.u32 $0x7F, s30;
	s25 =	sadd.s32 s1, s28  }
0x88: {  	[tilespmem:s17], [sflag:$0x1] =	stream.strided.gather [hbm4b:s25+s8], $0x1000, s9, s8, $0x38;
	[tilespmem:$0x18280] =	vst v63  }
0x89: {  	s26 =	sand.u32 $0x7F, s0;
	s28 =	sand.u32 $0x7F, s31;
	_ =	swait.ge [sflag:s18], $0x1000  }
0x8a: {  	s24 =	sand.u32 $0x7F, s19;
	s25 =	sand.u32 $0x7F, s2;
	[sflag:s18] =	ssyncset.done $0x0  }
0x8b: {  	[sflag:s18] =	ssyncadd.s32 $0xFFFFF000  }
0x8c: {  	v2 =	vld.idx.msk [tilespmem:v2+s10+$0x0], $0xffff  }
0x8d: {  	v3 =	vld.idx.msk [tilespmem:v3+s10+$0x0], $0xffff;
	_ =	sdelay $0x4  }
0x8e: {  	v4 =	vor.u32 s3, v1;
	[tilespmem:s21+$0xFFFFFE00] =	vst v2;
	v2 =	vor.u32 s3, v0  }
0x8f: {  	[tilespmem:s21+$0xFFFFFE10] =	vst v3  }
0x90: {  	_ =	swait.ge [sflag:s18], $0x1000  }
0x91: {  	[sflag:s18] =	ssyncset.done $0x0  }
0x92: {  	[sflag:s18] =	ssyncadd.s32 $0xFFFFF000  }
0x93: {  	v2 =	vld.idx.msk [tilespmem:v2+s11+$0x0], $0xffff  }
0x94: {  	v3 =	vld.idx.msk [tilespmem:v4+s11+$0x0], $0xffff;
	_ =	sdelay $0x4  }
0x95: {  	v4 =	vor.u32 s4, v1;
	[tilespmem:s21+$0xFFFFFE80] =	vst v2;
	v2 =	vor.u32 s4, v0  }
0x96: {  	[tilespmem:s21+$0xFFFFFE90] =	vst v3  }
0x97: {  	_ =	swait.ge [sflag:s18], $0x1000  }
0x98: {  	[sflag:s18] =	ssyncset.done $0x0  }
0x99: {  	[sflag:s18] =	ssyncadd.s32 $0xFFFFF000  }
0x9a: {  	v2 =	vld.idx.msk [tilespmem:v2+s12+$0x0], $0xffff  }
0x9b: {  	v3 =	vld.idx.msk [tilespmem:v4+s12+$0x0], $0xffff;
	_ =	sdelay $0x4  }
0x9c: {  	v4 =	vor.u32 s29, v1;
	[tilespmem:s21+$0xFFFFFF00] =	vst v2;
	v2 =	vor.u32 s29, v0  }
0x9d: {  	[tilespmem:s21+$0xFFFFFF10] =	vst v3  }
0x9e: {  	_ =	swait.ge [sflag:s18], $0x1000  }
0x9f: {  	[sflag:s18] =	ssyncset.done $0x0  }
0xa0: {  	[sflag:s18] =	ssyncadd.s32 $0xFFFFF000  }
0xa1: {  	v2 =	vld.idx.msk [tilespmem:v2+s13+$0x0], $0xffff  }
0xa2: {  	v3 =	vld.idx.msk [tilespmem:v4+s13+$0x0], $0xffff;
	_ =	sdelay $0x4  }
0xa3: {  	v4 =	vor.u32 s28, v1;
	[tilespmem:s21+$0xFFFFFF80] =	vst v2;
	v2 =	vor.u32 s28, v0  }
0xa4: {  	[tilespmem:s21+$0xFFFFFF90] =	vst v3  }
0xa5: {  	_ =	swait.ge [sflag:s18], $0x1000  }
0xa6: {  	[sflag:s18] =	ssyncset.done $0x0  }
0xa7: {  	[sflag:s18] =	ssyncadd.s32 $0xFFFFF000  }
0xa8: {  	v2 =	vld.idx.msk [tilespmem:v2+s14+$0x0], $0xffff  }
0xa9: {  	v3 =	vld.idx.msk [tilespmem:v4+s14+$0x0], $0xffff;
	_ =	sdelay $0x4  }
0xaa: {  	v4 =	vor.u32 s26, v1;
	[tilespmem:s21+$0x0] =	vst v2;
	v2 =	vor.u32 s26, v0  }
0xab: {  	[tilespmem:s21+$0x10] =	vst v3  }
0xac: {  	_ =	swait.ge [sflag:s18], $0x1000  }
0xad: {  	[sflag:s18] =	ssyncset.done $0x0  }
0xae: {  	[sflag:s18] =	ssyncadd.s32 $0xFFFFF000  }
0xaf: {  	v2 =	vld.idx.msk [tilespmem:v2+s15+$0x0], $0xffff  }
0xb0: {  	v3 =	vld.idx.msk [tilespmem:v4+s15+$0x0], $0xffff;
	_ =	sdelay $0x4  }
0xb1: {  	v4 =	vor.u32 s25, v1;
	[tilespmem:s21+$0x80] =	vst v2;
	v2 =	vor.u32 s25, v0  }
0xb2: {  	[tilespmem:s21+$0x90] =	vst v3  }
0xb3: {  	_ =	swait.ge [sflag:s18], $0x1000  }
0xb4: {  	[sflag:s18] =	ssyncset.done $0x0  }
0xb5: {  	[sflag:s18] =	ssyncadd.s32 $0xFFFFF000  }
0xb6: {  	v2 =	vld.idx.msk [tilespmem:v2+s16+$0x0], $0xffff  }
0xb7: {  	v4 =	vld.idx.msk [tilespmem:v4+s16+$0x0], $0xffff;
	_ =	sdelay $0x3  }
.Ltmp0:
0xb8: {  	(pc) =	sbr.rel @p0 .LBB2_2-.Ltmp0, $4  }
0xb9: {  	v3 =	vor.u32 s24, v0;
	[tilespmem:s21+$0x100] =	vst v2;
	v2 =	vor.u32 s24, v1  }
0xba: {  	[tilespmem:s21+$0x110] =	vst v4  }
0xbb: {  	_ =	swait.ge [sflag:s18], $0x1000  }
0xbc: {  	[sflag:s18] =	ssyncset.done $0x0  }
0xbd: {  	_ =	sdelay $0x2  }
0xbe: {  	[sflag:s18] =	ssyncadd.s32 $0xFFFFF000  }
0xbf: {  	v3 =	vld.idx.msk [tilespmem:v3+s17+$0x0], $0xffff  }
0xc0: {  	v2 =	vld.idx.msk [tilespmem:v2+s17+$0x0], $0xffff;
	_ =	sdelay $0x2  }
0xc1: {  	s20 =	sadd.s32 $0x1, s20  }
0xc2: {  	p0 =	sne.s32 s20, s6;
	[tilespmem:s22+$0x180] =	vst v3  }
.Ltmp1:
0xc3: {  	s2 =	simm.s32 $0x0;
	s0 =	simm.s32 $0x8280;
	[tilespmem:s22+$0x190] =	vst v2;
	(pc) =	sbr.rel @p0 .LBB2_1-.Ltmp1, $4  }
0xc4: {  	[hbm4b:s5+s2] =	stream.linear.scatter [tilespmem:s0], [sflag:$0x2], $0x10000, $0x38;
	[tilespmem:$0x18280] =	vst v63  }
0xc5: {  	_ =	swait.ge [sflag:s7], $0x10000  }
0xc6: {  	[sflag:s7] =	ssyncset.done $0x0  }
0xc7: {  	[sflag:s7] =	ssyncadd.s32 $0xFFFF0000  }
0xc8: {  	_ =	sfence.sel $0x180000  }
0xc9: {  	[bflag:$0x0] =	sbarrier.arrive $0xFFFF  }
0xca: {  	_ =	strace $0x90000047  }
0xcb: {  	s0 =	stileid.u32;
	[bflag:$0x2] =	sbarrier.arrive $0xFFFF  }
0xcc: {  	p0 =	sne.s32 s0, $0x0;
	s0 =	rddreg [dreg:$0x3]  }
0xcd: {  	s0 =	sadd.s32 @!p0 $0x100000, s0  }
0xce: {  	[sflag:s0] =	ssyncadd.tile.s32 @!p0 $0x1;
	_ =	shalt  }
.Lfunc_end2:
_tile_overlayer_lowered:
.L_overlay_start_2:
0xcf: {  	(tag) =	ssettag $0x2  }
0xd0: {  	s0 =	rddreg [dreg:$0x0];
	s2 =	stileid.u32  }
0xd1: {  	s1 =	rddreg [dreg:$0x1];
	p0 =	sne.s32 s2, $0x0  }
0xd2: {  	s3 =	rddreg [dreg:$0x2];
	[bflag:$0x3] =	sbarrier.arrive $0xFFFF;
	s2 =	simm.s32 @!p0 $0x1C02  }
0xd3: {  	[timem:s3], [sflag:s2] =	dma.local @!p0 [hbm:s0], s1  }
0xd4: {  	s0 =	simm.s32 @!p0 $0x2  }
0xd5: {  	_ =	swait.ge @!p0 [sflag:s0], s1  }
0xd6: {  	s1 =	ssub.s32 @!p0 $0x0, s1;
	[sflag:s0] =	ssyncset.done @!p0 $0x0  }
0xd7: {  	[sflag:s0] =	ssyncadd.s32 @!p0 s1  }
0xd8: {  	[bflag:$0x3] =	sbarrier.arrive $0xFFFF  }
0xd9: {  	_ =	shalt  }

// kernel: kernel.8.cloned.1.call-start
scs
__scs_entry_jumppad:
0x0: {  	(pc) =	sbr.rel $0x88, $3  }
0x1: {  	(tag) =	ssettag $0x0;
	lr =	simm.s32 $0x1  }
0x2: {  	[smem:$0x3F97] =	sst lr;
	_ =	strace $0xD0000000  }
0x3: {  	_ = 	snop  }
0x4: {  	_ = 	snop  }
0x5: {  	_ = 	snop  }
0x6: {  	_ = 	snop  }
0x7: {  	_ = 	snop  }
__scs_overlays_trampoline_lowered:
0x8: {  	[smem:$0x3FA6] =	sst s0  }
0x9: {  	[smem:$0x3FA7] =	sst s1  }
0xa: {  	[smem:$0x3FA8] =	sst s2  }
0xb: {  	[smem:$0x3FA9] =	sst s3  }
0xc: {  	[smem:$0x3FAA] =	sst s4  }
0xd: {  	[smem:$0x3FAB] =	sst s5  }
0xe: {  	[smem:$0x3FAC] =	sst s6  }
0xf: {  	[smem:$0x3FAD] =	sst s7  }
0x10: {  	[smem:$0x3FAE] =	sst s8  }
0x11: {  	[smem:$0x3FAF] =	sst s9;
	s0 =	simm.s32 @!p0 $0x0  }
0x12: {  	s1 =	sld [smem:$0x3F95];
	s0 =	simm.s32 @p0 $0x1  }
0x13: {  	[smem:$0x3FB0] =	sst s0;
	s0 =	simm.s32 @!p1 $0x0  }
0x14: {  	s2 =	sld [smem:$0x3F94];
	s0 =	simm.s32 @p1 $0x1  }
0x15: {  	[smem:$0x3FB1] =	sst s0;
	s0 =	simm.s32 @!p2 $0x0  }
0x16: {  	s3 =	sld [smem:$0x3FDB];
	s0 =	simm.s32 @p2 $0x1  }
0x17: {  	s4 =	simm.s32 $0x1BF5;
	[smem:$0x3FB3] =	sst s0  }
0x18: {  	s0 =	sld [smem:$0x3F96];
	_ =	swait.ge [sflag:s4], $0x0  }
0x19: {  	s7 =	sld [smem:$0x3F97]  }
0x1a: {  	s8 =	sadd.s32 $0xFFFFE003, lr  }
0x1b: {  	s9 =	sadd.s32 $0xFFFFFEF7, lr;
	s5 =	simm.s32 $0xFFFFFFFF;
	p2 =	slt.u32 s8, $0xFFFFF086  }
0x1c: {  	p1 =	slt.u32 s9, $0xF7A;
	s5 =	simm.s32 @!p2 $0x0  }
0x1d: {  	s5 =	simm.s32 @p1 $0x1;
	p0 =	seq.s32 s7, s2  }
0x1e: {  	s7 =	smul.u32 @!p0 $0xF7A, s2;
	p2 =	seq.s32 @!p0 s5, $0x0  }
0x1f: {  	s9 =	smul.u32 $0xF7A, s1;
	s8 =	simm.s32 @!p0 $0x1BF5;
	p2 =	por !p2, p0  }
0x20: {  	[sflag:s8] =	ssyncset.s32 @!p0 $0xFFFFF086;
	s6 =	sadd.s32 @!p0 s3, s7;
	s7 =	simm.s32 @!p0 $0x108  }
0x21: {  	s3 =	sadd.s32 s3, s9;
	s6 =	sadd.s32 @!p0 $0x88, s6;
	s7 =	simm.s32 @p2 $0x1082  }
0x22: {  	[simem:s7], [sflag:s8] =	dma.local @!p0 [hbm:s6], $0xF7A  }
0x23: {  	s9 =	sor.u32 $0xD0000000, s2;
	s6 =	simm.s32 $0x108;
	_ =	swait.ge @!p0 [sflag:s8], $0x0  }
0x24: {  	s3 =	sadd.s32 $0x88, s3;
	s6 =	simm.s32 @!p1 $0x1082;
	[sflag:s4] =	ssyncset.s32 $0xFFFFF086  }
0x25: {  	[simem:s6], [sflag:s4] =	dma.local [hbm:s3], $0xF7A  }
0x26: {  	[smem:$0x3F97] =	sst s1;
	(tag) =	ssettag s2;
	_ =	strace s9  }
0x27: {  	s1 =	sld [smem:$0x3FA7]  }
0x28: {  	s2 =	sld [smem:$0x3FA8]  }
0x29: {  	s4 =	sld [smem:$0x3FAA]  }
0x2a: {  	p0 =	seq.s32 s5, $0x0;
	s5 =	sld [smem:$0x3FAB]  }
0x2b: {  	s6 =	sld [smem:$0x3FAC]  }
0x2c: {  	s7 =	sld [smem:$0x3FAD]  }
0x2d: {  	s3 =	simm.s32 $0x108;
	s8 =	sld [smem:$0x3FAE]  }
0x2e: {  	s3 =	simm.s32 @!p0 $0x1082;
	s9 =	sld [smem:$0x3FAF]  }
0x2f: {  	lr =	sadd.s32 s0, s3;
	s0 =	sld [smem:$0x3FA6]  }
0x30: {  	s3 =	sld [smem:$0x3FA9]  }
0x31: {  	[smem:$0x3FB2] =	sst s10  }
0x32: {  	s10 =	sld [smem:$0x3FB0];
	_ =	sdelay $0x3  }
0x33: {  	p0 =	seq.s32 s10, $0x1;
	s10 =	sld [smem:$0x3FB2];
	_ =	sdelay $0x3  }
0x34: {  	[smem:$0x3FB2] =	sst s10  }
0x35: {  	s10 =	sld [smem:$0x3FB1];
	_ =	sdelay $0x3  }
0x36: {  	p1 =	seq.s32 s10, $0x1;
	s10 =	sld [smem:$0x3FB2];
	_ =	sdelay $0x3  }
0x37: {  	[smem:$0x3FB2] =	sst s10  }
0x38: {  	s10 =	sld [smem:$0x3FB3]  }
0x39: {  	_ = 	snop;
	(pc) =	sbr.ind lr, $3  }
0x3a: {  	_ = 	snop  }
0x3b: {  	_ = 	snop  }
0x3c: {  	p2 =	seq.s32 s10, $0x1;
	s10 =	sld [smem:$0x3FB2]  }
0x3d: {  	_ =	shalt  }
0x3e: {  	_ =	shalt  }
0x3f: {  	_ =	shalt  }
0x40: {  	_ =	shalt  }
0x41: {  	_ =	shalt  }
0x42: {  	_ =	shalt  }
0x43: {  	_ =	shalt  }
0x44: {  	_ =	shalt  }
0x45: {  	_ =	shalt  }
0x46: {  	_ =	shalt  }
0x47: {  	_ =	shalt  }
0x48: {  	_ =	shalt  }
0x49: {  	_ =	shalt  }
0x4a: {  	_ =	shalt  }
0x4b: {  	_ =	shalt  }
0x4c: {  	_ =	shalt  }
0x4d: {  	_ =	shalt  }
0x4e: {  	_ =	shalt  }
0x4f: {  	_ =	shalt  }
0x50: {  	_ =	shalt  }
0x51: {  	_ =	shalt  }
0x52: {  	_ =	shalt  }
0x53: {  	_ =	shalt  }
0x54: {  	_ =	shalt  }
0x55: {  	_ =	shalt  }
0x56: {  	_ =	shalt  }
0x57: {  	_ =	shalt  }
0x58: {  	_ =	shalt  }
0x59: {  	_ =	shalt  }
0x5a: {  	_ =	shalt  }
0x5b: {  	_ =	shalt  }
0x5c: {  	_ =	shalt  }
0x5d: {  	_ =	shalt  }
0x5e: {  	_ =	shalt  }
0x5f: {  	_ =	shalt  }
0x60: {  	_ =	shalt  }
0x61: {  	_ =	shalt  }
0x62: {  	_ =	shalt  }
0x63: {  	_ =	shalt  }
0x64: {  	_ =	shalt  }
0x65: {  	_ =	shalt  }
0x66: {  	_ =	shalt  }
0x67: {  	_ =	shalt  }
0x68: {  	_ =	shalt  }
0x69: {  	_ =	shalt  }
0x6a: {  	_ =	shalt  }
0x6b: {  	_ =	shalt  }
0x6c: {  	_ =	shalt  }
0x6d: {  	_ =	shalt  }
0x6e: {  	_ =	shalt  }
0x6f: {  	_ =	shalt  }
0x70: {  	_ =	shalt  }
0x71: {  	_ =	shalt  }
0x72: {  	_ =	shalt  }
0x73: {  	_ =	shalt  }
0x74: {  	_ =	shalt  }
0x75: {  	_ =	shalt  }
0x76: {  	_ =	shalt  }
0x77: {  	_ =	shalt  }
0x78: {  	_ =	shalt  }
0x79: {  	_ =	shalt  }
0x7a: {  	_ =	shalt  }
0x7b: {  	_ =	shalt  }
0x7c: {  	_ =	shalt  }
0x7d: {  	_ =	shalt  }
0x7e: {  	_ =	shalt  }
0x7f: {  	_ =	shalt  }
0x80: {  	_ =	shalt  }
0x81: {  	_ =	shalt  }
0x82: {  	_ =	shalt  }
0x83: {  	_ =	shalt  }
0x84: {  	_ =	shalt  }
0x85: {  	_ =	shalt  }
0x86: {  	_ =	shalt  }
0x87: {  	_ =	shalt  }
.Lfunc_end0:
.L_simem_size_0:
called_computation.1_lowered:
.L_overlay_start_0:
0x88: {  	s2 =	sld [smem:$0x3FD9]  }
0x89: {  	s3 =	sld [smem:$0x3FFE];
	_ =	sdelay $0x1  }
0x8a: {  	s1 =	srdreg.scid  }
0x8b: {  	s0 =	sand.u32 $0x1, s1  }
0x8c: {  	s17 =	sshll.u32 s0, $0xA;
	s2 =	sadd.s32 s3, s2  }
0x8d: {  	s2 =	sadd.s32 s2, s17  }
0x8e: {  	[smem:$0x3FBE] =	sst s2  }
0x8f: {  	_ = 	snop  }
0x90: {  	s18 =	sld [smem:$0x3FC8]  }
0x91: {  	s4 =	sld [smem:$0x3FC6];
	(tm) =	ssettm $0x1  }
0x92: {  	s19 =	sld [smem:$0x3FFB];
	_ =	sdelay $0x3  }
0x93: {  	_ =	strace s19  }
0x94: {  	s2 =	sld [smem:$0x3FFC];
	_ =	sdelay $0x3  }
0x95: {  	_ =	strace s2  }
0x96: {  	s2 =	sld [smem:$0x3FFD];
	_ =	sdelay $0x3  }
0x97: {  	_ =	strace s2  }
0x98: {  	_ =	strace $0x8FFFFFFF  }
0x99: {  	s20 =	sld [smem:$0x3FDB];
	_ =	sdelay $0x1  }
0x9a: {  	s5 =	simm.s32 $_scs_section_size  }
0x9b: {  	s6 =	simm.s32 $_size__tile_overlayer_lowered;
	s7 =	simm.s32 $_tile_overlayer_lowered  }
0x9c: {  	s8 =	simm.s32 $0x1BFF;
	s21 =	sshll.u32 s7, $0x1;
	s5 =	sadd.s32 s5, s20  }
0x9d: {  	s22 =	simm.s32 $0x0;
	s6 =	sshll.u32 s6, $0x1;
	s7 =	sadd.s32 s21, s5  }
0x9e: {  	[timem:s22], [sflag:s8] =	dma.local [hbm:s7], s6  }
0x9f: {  	_ =	swait.ge [sflag:s8], s6  }
0xa0: {  	s6 =	ssub.s32 $0x0, s6;
	[sflag:s8] =	ssyncset.done $0x0  }
0xa1: {  	[sflag:s8] =	ssyncadd.s32 s6;
	_ =	sdelay $0x1  }
0xa2: {  	s23 =	simm.s32 $0x1B8B  }
0xa3: {  	_ =	swait.ge [sflag:s23], $0x1  }
0xa4: {  	[sflag:s23] =	ssyncset.done $0x0  }
0xa5: {  	[sflag:s23] =	ssyncadd.s32 $0xFFFFFFFF  }
0xa6: {  	s6 =	sld [smem:$0x0]  }
0xa7: {  	s7 =	sand.u32 $0xFFFFFFFE, s1  }
0xa8: {  	p0 =	sne.s32 s1, s7  }
0xa9: {  	s7 =	sshll.u32 @p0 s7, $0xE  }
0xaa: {  	s7 =	sadd.s32 @p0 $0x11B8D, s7;
	s8 =	sshll.u32 @p0 s6, $0x11  }
0xab: {  	s7 =	sor.u32 @p0 s8, s7  }
0xac: {  	[sflag:s7] =	ssyncadd.remote.s32 @p0 $0x1;
	_ =	sdelay $0x1  }
0xad: {  	s7 =	simm.s32 @p0 $0x1B8D  }
0xae: {  	_ =	swait.eq @p0 [sflag:s7], $0x1  }
0xaf: {  	[sflag:s7] =	ssyncadd.s32 @p0 $0xFFFFFFFF  }
0xb0: {  	s8 =	sshll.u32 @!p0 s1, $0xE  }
0xb1: {  	s8 =	sor.u32 @!p0 $0x4000, s8;
	s7 =	simm.s32 @!p0 $0x1B8D  }
0xb2: {  	s6 =	sshll.u32 @!p0 s6, $0x11;
	s8 =	sadd.s32 @!p0 $0x11B8D, s8;
	_ =	swait.eq @!p0 [sflag:s7], $0x1  }
0xb3: {  	s6 =	sor.u32 @!p0 s6, s8;
	[sflag:s7] =	ssyncadd.s32 @!p0 $0xFFFFFFFF  }
0xb4: {  	s25 =	simm.s32 $0x1B8E;
	s24 =	sld [smem:$0x3FFE];
	[sflag:s6] =	ssyncadd.remote.s32 @!p0 $0x1  }
0xb5: {  	s26 =	simm.s32 $execute0_lowered;
	[smem:$0x3FD2] =	sst s25  }
0xb6: {  	s7 =	sshll.u32 s26, $0x1;
	_ =	strace $0x80000049;
	[dreg:$0x1] =	wrdreg $0xFFFFFFFF  }
0xb7: {  	s28 =	simm.s32 $_size_execute0_lowered;
	s5 =	sadd.s32 s5, s7;
	[dreg:$0x0] =	wrdreg $0x0  }
0xb8: {  	s7 =	sshll.u32 s28, $0x1;
	[dreg:$0x2] =	wrdreg s5  }
0xb9: {  	[dreg:$0x3] =	wrdreg s7  }
0xba: {  	[dreg:$0x4] =	wrdreg $0xC0  }
0xbb: {  	_ =	task [dreg:s22], $0x5FFFF  }
0xbc: {  	[dreg:$0x1] =	wrdreg $0xFFFFFFFF  }
0xbd: {  	[dreg:$0x0] =	wrdreg $0x60  }
0xbe: {  	[dreg:$0x2] =	wrdreg s4  }
0xbf: {  	[dreg:$0x3] =	wrdreg s18  }
0xc0: {  	[dreg:$0x4] =	wrdreg s24  }
0xc1: {  	[dreg:$0x5] =	wrdreg $0xA  }
0xc2: {  	_ =	task.clear_ibuf [dreg:s22], $0x6FFFF;
	_ =	strace $0x90000049  }
0xc3: {  	s29 =	simm.s32 $0xA;
	_ =	strace $0x8000004B  }
0xc4: {  	_ =	swait.ge [sflag:s29], $0x1  }
0xc5: {  	[sflag:s29] =	ssyncadd.s32 $0xFFFFFFFF  }
0xc6: {  	_ =	strace $0x9000004B  }
0xc7: {  	_ =	sfence  }
0xc8: {  	s30 =	sld [smem:$0x0];
	_ =	sdelay $0x2  }
0xc9: {  	s31 =	sshll.u32 s1, $0xD;
	s1 =	sshrl.u32 s1, $0x2  }
0xca: {  	s4 =	sand.u32 $0x4000, s31;
	s1 =	sadd.s32 s1, s30  }
0xcb: {  	s0 =	sor.u32 s4, s0;
	s1 =	sshll.u32 s1, $0x11  }
0xcc: {  	s0 =	sor.u32 s1, s0  }
0xcd: {  	s0 =	sadd.s32 $0x8F2B, s0  }
0xce: {  	[sflag:s0] =	ssyncadd.remote.s32 $0x1  }
0xcf: {  	_ =	sfence.sel $0xFFFF  }
0xd0: {  	[dreg:$0x0] =	wrdreg $0xFFFFFFFF;
	(pc) =	sbr.abs _section_cstart, $3  }
0xd1: {  	[dreg:$0x1] =	wrdreg $0xFFFFFFFF  }
0xd2: {  	_ =	task.clear_ibuf [dreg:s22], $0x2FFFF;
	_ =	strace $0x9FFFFFFF  }
0xd3: {  	(tm) =	ssettm $0x7FFFFFFF  }
tec
execute0_lowered:
.L_overlay_start_1:
0x0: {  	(tag) =	ssettag $0x1  }
0x1: {  	s1 =	rddreg [dreg:$0x0]  }
0x2: {  	s4 =	rddreg [dreg:$0x1]  }
0x3: {  	s5 =	rddreg [dreg:$0x2]  }
0x4: {  	s3 =	srdreg.scid;
	s0 =	stileid.u32  }
0x5: {  	s2 =	simm.s32 $0x0;
	s9 =	simm.s32 $0x7A1400;
	s10 =	simm.s32 $0x280  }
0x6: {  	s11 =	simm.s32 $0x1280;
	s12 =	simm.s32 $0x2280;
	s13 =	simm.s32 $0x3280  }
0x7: {  	s14 =	simm.s32 $0x4280;
	s15 =	simm.s32 $0x5280;
	s16 =	simm.s32 $0x6280  }
0x8: {  	s17 =	simm.s32 $0x7280;
	s18 =	simm.s32 $0x1;
	s6 =	sand.u32 $0x1, s3  }
0x9: {  	s20 =	simm.s32 $0x0;
	s7 =	sshll.u32 s0, $0xA;
	s8 =	sshll.u32 s6, $0x9  }
0xa: {  	[smem:$0x7FF] =	sst s2;
	s6 =	ssub.s32 $0x2, s6;
	s7 =	sor.u32 s8, s7  }
0xb: {  	v0 =	vlaneseq.u32;
	_ =	strace $0x8000004A;
	s30 =	sshrl.u32 s6, $0x1;
	s8 =	sshll.u32 s7, $0x4  }
0xc: {  	v0 =	vmul.u32 $0x80, v0;
	s7 =	sshrl.u32 s7, $0x3;
	s6 =	ssub.s32 s6, s30;
	s5 =	sadd.s32 s8, s5  }
0xd: {  	s31 =	sadd.s32 s4, s7;
	s6 =	smax.u32 s6, $0x1;
	s7 =	simm.s32 $0x2  }
0xe: {  	v1 =	vor.u32 $0x800, v0;
	s8 =	simm.s32 $0x400;
	[dreg:$0x4] =	wrdreg s31;
	s5 =	sadd.s32 $0x41600, s5  }
.LBB2_1:
0xf: {  	s0 =	rddreg [dreg:$0x4]  }
0x10: {  	[tilespmem:s2], [sflag:$0x2] =	stream.linear.gather [hbm4b:s0+s2], $0x200, $0x38;
	[tilespmem:$0x18280] =	vst v63  }
0x11: {  	_ =	swait.ge [sflag:s7], $0x200  }
0x12: {  	[sflag:s7] =	ssyncset.done $0x0  }
0x13: {  	s21 =	simm.s32 $0x0;
	[sflag:s7] =	ssyncadd.s32 $0xFFFFFE00  }
0x14: {  	v2 =	vld [tilespmem:s21+$0x0];
	_ =	sdelay $0x4  }
0x15: {  	(v2sf) =	vpush v2, $0x0  }
0x16: {  	(v2sf) =	vpush v2, $0x1  }
0x17: {  	(v2sf) =	vpush v2, $0x2;
	_ =	sdelay $0x1  }
0x18: {  	(v2sf) =	vpush v2, $0x3;
	_ =	sdelay $0x1  }
0x19: {  	(v2sf) =	vpush v2, $0x4;
	_ =	sdelay $0x1  }
0x1a: {  	(v2sf) =	vpush v2, $0x5;
	_ =	sdelay $0x1  }
0x1b: {  	(v2sf) =	vpush v2, $0x6;
	_ =	sdelay $0x1  }
0x1c: {  	(v2sf) =	vpush v2, $0x7;
	_ =	sdelay $0x2  }
0x1d: {  	s21 =	spop (v2sf)  }
0x1e: {  	s22 =	sand.u32 $0xFFFFF80, s21;
	s25 =	spop (v2sf)  }
0x1f: {  	s22 =	sadd.s32 s1, s22;
	s23 =	sand.u32 $0xFFFFF80, s25;
	s26 =	spop (v2sf)  }
0x20: {  	[tilespmem:s10], [sflag:$0x1] =	stream.strided.gather [hbm4b:s22+s8], $0x1000, s9, s8, $0x38;
	[tilespmem:$0x18280] =	vst v63  }
0x21: {  	s2 =	sadd.s32 s1, s23;
	s3 =	sand.u32 $0xFFFFF80, s26;
	s28 =	spop (v2sf)  }
0x22: {  	[tilespmem:s11], [sflag:$0x1] =	stream.strided.gather [hbm4b:s2+s8], $0x1000, s9, s8, $0x38;
	[tilespmem:$0x18280] =	vst v63  }
0x23: {  	s4 =	sadd.s32 s1, s3;
	s19 =	sand.u32 $0xFFFFF80, s28;
	s29 =	spop (v2sf)  }
0x24: {  	[tilespmem:s12], [sflag:$0x1] =	stream.strided.gather [hbm4b:s4+s8], $0x1000, s9, s8, $0x38;
	[tilespmem:$0x18280] =	vst v63  }
0x25: {  	s23 =	sadd.s32 s1, s19;
	s30 =	sand.u32 $0xFFFFF80, s29;
	s24 =	spop (v2sf)  }
0x26: {  	[tilespmem:s13], [sflag:$0x1] =	stream.strided.gather [hbm4b:s23+s8], $0x1000, s9, s8, $0x38;
	[tilespmem:$0x18280] =	vst v63  }
0x27: {  	s31 =	sadd.s32 s1, s30;
	s30 =	sand.u32 $0xFFFFF80, s24;
	s0 =	spop (v2sf)  }
0x28: {  	[tilespmem:s14], [sflag:$0x1] =	stream.strided.gather [hbm4b:s31+s8], $0x1000, s9, s8, $0x38;
	[tilespmem:$0x18280] =	vst v63  }
0x29: {  	s2 =	sadd.s32 s1, s30;
	s3 =	sand.u32 $0xFFFFF80, s0;
	s4 =	spop (v2sf)  }
0x2a: {  	[tilespmem:s15], [sflag:$0x1] =	stream.strided.gather [hbm4b:s2+s8], $0x1000, s9, s8, $0x38;
	[tilespmem:$0x18280] =	vst v63  }
0x2b: {  	s21 =	sand.u32 $0x7F, s21;
	s30 =	sadd.s32 s1, s3;
	s19 =	sand.u32 $0xFFFFF80, s4  }
0x2c: {  	[tilespmem:s16], [sflag:$0x1] =	stream.strided.gather [hbm4b:s30+s8], $0x1000, s9, s8, $0x38;
	[tilespmem:$0x18280] =	vst v63  }
0x2d: {  	v2 =	vor.u32 s21, v0;
	s30 =	sadd.s32 s1, s19  }
0x2e: {  	v3 =	vor.u32 s21, v1;
	[tilespmem:s17], [sflag:$0x1] =	stream.strided.gather [hbm4b:s30+s8], $0x1000, s9, s8, $0x38;
	[tilespmem:$0x18280] =	vst v63  }
0x2f: {  	_ =	swait.ge [sflag:s18], $0x1000  }
0x30: {  	[sflag:s18] =	ssyncset.done $0x0  }
0x31: {  	[sflag:s18] =	ssyncadd.s32 $0xFFFFF000  }
0x32: {  	v2 =	vld.idx.msk [tilespmem:v2+s10+$0x0], $0xffff  }
0x33: {  	v3 =	vld.idx.msk [tilespmem:v3+s10+$0x0], $0xffff;
	_ =	sdelay $0x2  }
0x34: {  	s21 =	simm.s32 $0x8480;
	s25 =	sand.u32 $0x7F, s25  }
0x35: {  	v4 =	vor.u32 s25, v1;
	[tilespmem:s21+$0xFFFFFE00] =	vst v2  }
0x36: {  	v2 =	vor.u32 s25, v0;
	[tilespmem:s21+$0xFFFFFE10] =	vst v3  }
0x37: {  	_ =	swait.ge [sflag:s18], $0x1000  }
0x38: {  	[sflag:s18] =	ssyncset.done $0x0  }
0x39: {  	[sflag:s18] =	ssyncadd.s32 $0xFFFFF000  }
0x3a: {  	v3 =	vld.idx.msk [tilespmem:v4+s11+$0x0], $0xffff  }
0x3b: {  	v2 =	vld.idx.msk [tilespmem:v2+s11+$0x0], $0xffff;
	_ =	sdelay $0x2  }
0x3c: {  	s26 =	sand.u32 $0x7F, s26  }
0x3d: {  	v4 =	vor.u32 s26, v1;
	[tilespmem:s21+$0xFFFFFE90] =	vst v3  }
0x3e: {  	[tilespmem:s21+$0xFFFFFE80] =	vst v2;
	v2 =	vor.u32 s26, v0  }
0x3f: {  	_ =	swait.ge [sflag:s18], $0x1000  }
0x40: {  	[sflag:s18] =	ssyncset.done $0x0  }
0x41: {  	[sflag:s18] =	ssyncadd.s32 $0xFFFFF000  }
0x42: {  	v3 =	vld.idx.msk [tilespmem:v4+s12+$0x0], $0xffff  }
0x43: {  	v2 =	vld.idx.msk [tilespmem:v2+s12+$0x0], $0xffff;
	_ =	sdelay $0x2  }
0x44: {  	s30 =	sand.u32 $0x7F, s28  }
0x45: {  	v4 =	vor.u32 s30, v1;
	[tilespmem:s21+$0xFFFFFF10] =	vst v3  }
0x46: {  	[tilespmem:s21+$0xFFFFFF00] =	vst v2;
	v2 =	vor.u32 s30, v0  }
0x47: {  	_ =	swait.ge [sflag:s18], $0x1000  }
0x48: {  	[sflag:s18] =	ssyncset.done $0x0  }
0x49: {  	[sflag:s18] =	ssyncadd.s32 $0xFFFFF000  }
0x4a: {  	v3 =	vld.idx.msk [tilespmem:v4+s13+$0x0], $0xffff  }
0x4b: {  	v2 =	vld.idx.msk [tilespmem:v2+s13+$0x0], $0xffff;
	_ =	sdelay $0x2  }
0x4c: {  	s31 =	sand.u32 $0x7F, s29  }
0x4d: {  	v4 =	vor.u32 s31, v1;
	[tilespmem:s21+$0xFFFFFF90] =	vst v3  }
0x4e: {  	[tilespmem:s21+$0xFFFFFF80] =	vst v2;
	v2 =	vor.u32 s31, v0  }
0x4f: {  	_ =	swait.ge [sflag:s18], $0x1000  }
0x50: {  	[sflag:s18] =	ssyncset.done $0x0  }
0x51: {  	[sflag:s18] =	ssyncadd.s32 $0xFFFFF000  }
0x52: {  	v3 =	vld.idx.msk [tilespmem:v4+s14+$0x0], $0xffff  }
0x53: {  	v2 =	vld.idx.msk [tilespmem:v2+s14+$0x0], $0xffff;
	_ =	sdelay $0x2  }
0x54: {  	s24 =	sand.u32 $0x7F, s24  }
0x55: {  	v4 =	vor.u32 s24, v1;
	[tilespmem:s21+$0x10] =	vst v3  }
0x56: {  	[tilespmem:s21+$0x0] =	vst v2;
	v2 =	vor.u32 s24, v0  }
0x57: {  	_ =	swait.ge [sflag:s18], $0x1000  }
0x58: {  	[sflag:s18] =	ssyncset.done $0x0  }
0x59: {  	[sflag:s18] =	ssyncadd.s32 $0xFFFFF000  }
0x5a: {  	v3 =	vld.idx.msk [tilespmem:v4+s15+$0x0], $0xffff  }
0x5b: {  	v2 =	vld.idx.msk [tilespmem:v2+s15+$0x0], $0xffff;
	_ =	sdelay $0x2  }
0x5c: {  	s23 =	sand.u32 $0x7F, s0  }
0x5d: {  	v4 =	vor.u32 s23, v1;
	[tilespmem:s21+$0x90] =	vst v3  }
0x5e: {  	[tilespmem:s21+$0x80] =	vst v2;
	v2 =	vor.u32 s23, v0  }
0x5f: {  	_ =	swait.ge [sflag:s18], $0x1000  }
0x60: {  	[sflag:s18] =	ssyncset.done $0x0  }
0x61: {  	[sflag:s18] =	ssyncadd.s32 $0xFFFFF000  }
0x62: {  	v3 =	vld.idx.msk [tilespmem:v4+s16+$0x0], $0xffff  }
0x63: {  	v2 =	vld.idx.msk [tilespmem:v2+s16+$0x0], $0xffff;
	_ =	sdelay $0x2  }
0x64: {  	s22 =	sand.u32 $0x7F, s4  }
0x65: {  	[tilespmem:s21+$0x110] =	vst v3;
	v3 =	vor.u32 s22, v0  }
0x66: {  	[tilespmem:s21+$0x100] =	vst v2;
	v2 =	vor.u32 s22, v1  }
0x67: {  	_ =	swait.ge [sflag:s18], $0x1000  }
0x68: {  	s23 =	simm.s32 $0x20;
	s22 =	simm.s32 $0x8480;
	[sflag:s18] =	ssyncset.done $0x0  }
.LBB2_2:
0x69: {  	p0 =	sne.s32 s23, $0x7E0;
	[sflag:s18] =	ssyncadd.s32 $0xFFFFF000;
	s21 =	sadd.s32 $0x400, s21  }
0x6a: {  	s24 =	smov.u32 s23;
	s23 =	sadd.s32 $0x20, s23;
	v3 =	vld.idx.msk [tilespmem:v3+s17+$0x0], $0xffff  }
0x6b: {  	v2 =	vld.idx.msk [tilespmem:v2+s17+$0x0], $0xffff;
	_ =	sdelay $0x4  }
0x6c: {  	[tilespmem:s22+$0x180] =	vst v3  }
0x6d: {  	s24 =	sshra.s32 s24, $0x2;
	[tilespmem:s22+$0x190] =	vst v2;
	s22 =	smov.u32 s21  }
0x6e: {  	v2 =	vld [tilespmem:s24+$0x0];
	_ =	sdelay $0x4  }
0x6f: {  	(v2sf) =	vpush v2, $0x0  }
0x70: {  	(v2sf) =	vpush v2, $0x1  }
0x71: {  	(v2sf) =	vpush v2, $0x2;
	_ =	sdelay $0x1  }
0x72: {  	(v2sf) =	vpush v2, $0x3;
	_ =	sdelay $0x1  }
0x73: {  	(v2sf) =	vpush v2, $0x4;
	_ =	sdelay $0x1  }
0x74: {  	(v2sf) =	vpush v2, $0x5;
	_ =	sdelay $0x1  }
0x75: {  	(v2sf) =	vpush v2, $0x6;
	_ =	sdelay $0x1  }
0x76: {  	(v2sf) =	vpush v2, $0x7;
	_ =	sdelay $0x2  }
0x77: {  	s24 =	spop (v2sf)  }
0x78: {  	s25 =	sand.u32 $0xFFFFF80, s24;
	s24 =	sand.u32 $0x7F, s24;
	s26 =	spop (v2sf)  }
0x79: {  	s25 =	sadd.s32 s1, s25;
	s28 =	sand.u32 $0xFFFFF80, s26;
	s29 =	spop (v2sf)  }
0x7a: {  	[tilespmem:s10], [sflag:$0x1] =	stream.strided.gather [hbm4b:s25+s8], $0x1000, s9, s8, $0x38;
	[tilespmem:$0x18280] =	vst v63  }
0x7b: {  	s25 =	sadd.s32 s1, s28;
	s28 =	sand.u32 $0xFFFFF80, s29;
	s30 =	spop (v2sf)  }
0x7c: {  	[tilespmem:s11], [sflag:$0x1] =	stream.strided.gather [hbm4b:s25+s8], $0x1000, s9, s8, $0x38;
	[tilespmem:$0x18280] =	vst v63  }
0x7d: {  	s25 =	sadd.s32 s1, s28;
	s28 =	sand.u32 $0xFFFFF80, s30;
	s31 =	spop (v2sf)  }
0x7e: {  	[tilespmem:s12], [sflag:$0x1] =	stream.strided.gather [hbm4b:s25+s8], $0x1000, s9, s8, $0x38;
	[tilespmem:$0x18280] =	vst v63  }
0x7f: {  	s25 =	sadd.s32 s1, s28;
	s28 =	sand.u32 $0xFFFFF80, s31;
	s0 =	spop (v2sf)  }
0x80: {  	[tilespmem:s13], [sflag:$0x1] =	stream.strided.gather [hbm4b:s25+s8], $0x1000, s9, s8, $0x38;
	[tilespmem:$0x18280] =	vst v63  }
0x81: {  	s25 =	sadd.s32 s1, s28;
	s28 =	sand.u32 $0xFFFFF80, s0;
	s2 =	spop (v2sf)  }
0x82: {  	[tilespmem:s14], [sflag:$0x1] =	stream.strided.gather [hbm4b:s25+s8], $0x1000, s9, s8, $0x38;
	[tilespmem:$0x18280] =	vst v63  }
0x83: {  	s25 =	sadd.s32 s1, s28;
	s28 =	sand.u32 $0xFFFFF80, s2;
	s19 =	spop (v2sf)  }
0x84: {  	[tilespmem:s15], [sflag:$0x1] =	stream.strided.gather [hbm4b:s25+s8], $0x1000, s9, s8, $0x38;
	[tilespmem:$0x18280] =	vst v63  }
0x85: {  	s3 =	sand.u32 $0x7F, s26;
	s25 =	sadd.s32 s1, s28;
	s28 =	sand.u32 $0xFFFFF80, s19  }
0x86: {  	[tilespmem:s16], [sflag:$0x1] =	stream.strided.gather [hbm4b:s25+s8], $0x1000, s9, s8, $0x38;
	[tilespmem:$0x18280] =	vst v63  }
0x87: {  	v2 =	vor.u32 s24, v0;
	v3 =	vor.u32 s24, v1;
	s4 =	sand.u32 $0x7F, s29;
	s29 =	sand.u32 $0x7F, s30;
	s25 =	sadd.s32 s1, s28  }
0x88: {  	[tilespmem:s17], [sflag:$0x1] =	stream.strided.gather [hbm4b:s25+s8], $0x1000, s9, s8, $0x38;
	[tilespmem:$0x18280] =	vst v63  }
0x89: {  	s26 =	sand.u32 $0x7F, s0;
	s28 =	sand.u32 $0x7F, s31;
	_ =	swait.ge [sflag:s18], $0x1000  }
0x8a: {  	s24 =	sand.u32 $0x7F, s19;
	s25 =	sand.u32 $0x7F, s2;
	[sflag:s18] =	ssyncset.done $0x0  }
0x8b: {  	[sflag:s18] =	ssyncadd.s32 $0xFFFFF000  }
0x8c: {  	v2 =	vld.idx.msk [tilespmem:v2+s10+$0x0], $0xffff  }
0x8d: {  	v3 =	vld.idx.msk [tilespmem:v3+s10+$0x0], $0xffff;
	_ =	sdelay $0x4  }
0x8e: {  	v4 =	vor.u32 s3, v1;
	[tilespmem:s21+$0xFFFFFE00] =	vst v2;
	v2 =	vor.u32 s3, v0  }
0x8f: {  	[tilespmem:s21+$0xFFFFFE10] =	vst v3  }
0x90: {  	_ =	swait.ge [sflag:s18], $0x1000  }
0x91: {  	[sflag:s18] =	ssyncset.done $0x0  }
0x92: {  	[sflag:s18] =	ssyncadd.s32 $0xFFFFF000  }
0x93: {  	v2 =	vld.idx.msk [tilespmem:v2+s11+$0x0], $0xffff  }
0x94: {  	v3 =	vld.idx.msk [tilespmem:v4+s11+$0x0], $0xffff;
	_ =	sdelay $0x4  }
0x95: {  	v4 =	vor.u32 s4, v1;
	[tilespmem:s21+$0xFFFFFE80] =	vst v2;
	v2 =	vor.u32 s4, v0  }
0x96: {  	[tilespmem:s21+$0xFFFFFE90] =	vst v3  }
0x97: {  	_ =	swait.ge [sflag:s18], $0x1000  }
0x98: {  	[sflag:s18] =	ssyncset.done $0x0  }
0x99: {  	[sflag:s18] =	ssyncadd.s32 $0xFFFFF000  }
0x9a: {  	v2 =	vld.idx.msk [tilespmem:v2+s12+$0x0], $0xffff  }
0x9b: {  	v3 =	vld.idx.msk [tilespmem:v4+s12+$0x0], $0xffff;
	_ =	sdelay $0x4  }
0x9c: {  	v4 =	vor.u32 s29, v1;
	[tilespmem:s21+$0xFFFFFF00] =	vst v2;
	v2 =	vor.u32 s29, v0  }
0x9d: {  	[tilespmem:s21+$0xFFFFFF10] =	vst v3  }
0x9e: {  	_ =	swait.ge [sflag:s18], $0x1000  }
0x9f: {  	[sflag:s18] =	ssyncset.done $0x0  }
0xa0: {  	[sflag:s18] =	ssyncadd.s32 $0xFFFFF000  }
0xa1: {  	v2 =	vld.idx.msk [tilespmem:v2+s13+$0x0], $0xffff  }
0xa2: {  	v3 =	vld.idx.msk [tilespmem:v4+s13+$0x0], $0xffff;
	_ =	sdelay $0x4  }
0xa3: {  	v4 =	vor.u32 s28, v1;
	[tilespmem:s21+$0xFFFFFF80] =	vst v2;
	v2 =	vor.u32 s28, v0  }
0xa4: {  	[tilespmem:s21+$0xFFFFFF90] =	vst v3  }
0xa5: {  	_ =	swait.ge [sflag:s18], $0x1000  }
0xa6: {  	[sflag:s18] =	ssyncset.done $0x0  }
0xa7: {  	[sflag:s18] =	ssyncadd.s32 $0xFFFFF000  }
0xa8: {  	v2 =	vld.idx.msk [tilespmem:v2+s14+$0x0], $0xffff  }
0xa9: {  	v3 =	vld.idx.msk [tilespmem:v4+s14+$0x0], $0xffff;
	_ =	sdelay $0x4  }
0xaa: {  	v4 =	vor.u32 s26, v1;
	[tilespmem:s21+$0x0] =	vst v2;
	v2 =	vor.u32 s26, v0  }
0xab: {  	[tilespmem:s21+$0x10] =	vst v3  }
0xac: {  	_ =	swait.ge [sflag:s18], $0x1000  }
0xad: {  	[sflag:s18] =	ssyncset.done $0x0  }
0xae: {  	[sflag:s18] =	ssyncadd.s32 $0xFFFFF000  }
0xaf: {  	v2 =	vld.idx.msk [tilespmem:v2+s15+$0x0], $0xffff  }
0xb0: {  	v3 =	vld.idx.msk [tilespmem:v4+s15+$0x0], $0xffff;
	_ =	sdelay $0x4  }
0xb1: {  	v4 =	vor.u32 s25, v1;
	[tilespmem:s21+$0x80] =	vst v2;
	v2 =	vor.u32 s25, v0  }
0xb2: {  	[tilespmem:s21+$0x90] =	vst v3  }
0xb3: {  	_ =	swait.ge [sflag:s18], $0x1000  }
0xb4: {  	[sflag:s18] =	ssyncset.done $0x0  }
0xb5: {  	[sflag:s18] =	ssyncadd.s32 $0xFFFFF000  }
0xb6: {  	v2 =	vld.idx.msk [tilespmem:v2+s16+$0x0], $0xffff  }
0xb7: {  	v4 =	vld.idx.msk [tilespmem:v4+s16+$0x0], $0xffff;
	_ =	sdelay $0x3  }
.Ltmp0:
0xb8: {  	(pc) =	sbr.rel @p0 .LBB2_2-.Ltmp0, $4  }
0xb9: {  	v3 =	vor.u32 s24, v0;
	[tilespmem:s21+$0x100] =	vst v2;
	v2 =	vor.u32 s24, v1  }
0xba: {  	[tilespmem:s21+$0x110] =	vst v4  }
0xbb: {  	_ =	swait.ge [sflag:s18], $0x1000  }
0xbc: {  	[sflag:s18] =	ssyncset.done $0x0  }
0xbd: {  	_ =	sdelay $0x2  }
0xbe: {  	[sflag:s18] =	ssyncadd.s32 $0xFFFFF000  }
0xbf: {  	v3 =	vld.idx.msk [tilespmem:v3+s17+$0x0], $0xffff  }
0xc0: {  	v2 =	vld.idx.msk [tilespmem:v2+s17+$0x0], $0xffff;
	_ =	sdelay $0x2  }
0xc1: {  	s20 =	sadd.s32 $0x1, s20  }
0xc2: {  	p0 =	sne.s32 s20, s6;
	[tilespmem:s22+$0x180] =	vst v3  }
.Ltmp1:
0xc3: {  	s2 =	simm.s32 $0x0;
	s0 =	simm.s32 $0x8280;
	[tilespmem:s22+$0x190] =	vst v2;
	(pc) =	sbr.rel @p0 .LBB2_1-.Ltmp1, $4  }
0xc4: {  	[hbm4b:s5+s2] =	stream.linear.scatter [tilespmem:s0], [sflag:$0x2], $0x10000, $0x38;
	[tilespmem:$0x18280] =	vst v63  }
0xc5: {  	_ =	swait.ge [sflag:s7], $0x10000  }
0xc6: {  	[sflag:s7] =	ssyncset.done $0x0  }
0xc7: {  	[sflag:s7] =	ssyncadd.s32 $0xFFFF0000  }
0xc8: {  	_ =	sfence.sel $0x180000  }
0xc9: {  	[bflag:$0x0] =	sbarrier.arrive $0xFFFF  }
0xca: {  	_ =	strace $0x9000004A  }
0xcb: {  	s0 =	stileid.u32;
	[bflag:$0x2] =	sbarrier.arrive $0xFFFF  }
0xcc: {  	p0 =	sne.s32 s0, $0x0;
	s0 =	rddreg [dreg:$0x3]  }
0xcd: {  	s0 =	sadd.s32 @!p0 $0x100000, s0  }
0xce: {  	[sflag:s0] =	ssyncadd.tile.s32 @!p0 $0x1;
	_ =	shalt  }
.Lfunc_end2:
_tile_overlayer_lowered:
.L_overlay_start_2:
0xcf: {  	(tag) =	ssettag $0x2  }
0xd0: {  	s0 =	rddreg [dreg:$0x0];
	s2 =	stileid.u32  }
0xd1: {  	s1 =	rddreg [dreg:$0x1];
	p0 =	sne.s32 s2, $0x0  }
0xd2: {  	s3 =	rddreg [dreg:$0x2];
	[bflag:$0x3] =	sbarrier.arrive $0xFFFF;
	s2 =	simm.s32 @!p0 $0x1C02  }
0xd3: {  	[timem:s3], [sflag:s2] =	dma.local @!p0 [hbm:s0], s1  }
0xd4: {  	s0 =	simm.s32 @!p0 $0x2  }
0xd5: {  	_ =	swait.ge @!p0 [sflag:s0], s1  }
0xd6: {  	s1 =	ssub.s32 @!p0 $0x0, s1;
	[sflag:s0] =	ssyncset.done @!p0 $0x0  }
0xd7: {  	[sflag:s0] =	ssyncadd.s32 @!p0 s1  }
0xd8: {  	[bflag:$0x3] =	sbarrier.arrive $0xFFFF  }
0xd9: {  	_ =	shalt  }

</sc_bundles>
